<compile_context>
chip_gen: v7x
topology: tpu7x:2x2x1
jax: 0.10.2.dev20260603
libtpu: 0.0.44.dev20260713+nightly
codegen_flags: <defaults>
</compile_context>

<pallas_src>
import jax
import jax.numpy as jnp
from jax import lax
from jax.experimental import pallas as pl
from jax.experimental.pallas import tpu as pltpu
from jax.experimental.pallas import tpu_sc as plsc

_VOCAB = 1000
_B = 1024
_T = 50
_NTOK = _B * _T
_NC = 2
_NS = 16
_NW = _NC * _NS
_B_PER_W = _NTOK // _NW
_CH = 16
_NCHUNK = _B_PER_W // _CH
_NBUF = 4
_K = 2
_NGRP = _NCHUNK // _NBUF


def _gather_body(idx_hbm, table_hbm, out_hbm, idx_v, rows_v, table_sp,
                 gsems, wsems):
    sid = lax.axis_index("s")
    wid = sid * _NC + lax.axis_index("c")
    base = wid * _B_PER_W

    pltpu.sync_copy(idx_hbm.at[wid], idx_v)

    @pl.when(sid < 8)
    def _fill():
        pltpu.sync_copy(table_hbm.at[pl.ds(sid * 125, 125)],
                        table_sp.at[pl.ds(sid * 125, 125)])

    plsc.subcore_barrier()

    def gstart(c, buf):
        pltpu.async_copy(table_sp.at[idx_v.at[c]], rows_v.at[buf], gsems[buf])

    def gwait(c, buf):
        pltpu.make_async_copy(table_sp.at[idx_v.at[c]], rows_v.at[buf],
                              gsems[buf]).wait()

    def wstart(c, buf):
        pltpu.async_copy(rows_v.at[buf],
                         out_hbm.at[pl.ds(base + c * _CH, _CH)], wsems[buf])

    def wwait(c, buf):
        pltpu.make_async_copy(rows_v.at[buf],
                              out_hbm.at[pl.ds(base + c * _CH, _CH)],
                              wsems[buf]).wait()

    def step(c, b, first, last):
        bufg = (b + _K) % _NBUF
        if not first:
            wwait(c + _K - _NBUF, bufg)
        if not last:
            gstart(c + _K, bufg)
        gwait(c, b)
        wstart(c, b)

    for c in range(_K):
        gstart(c, c % _NBUF)

    for b in range(_NBUF):
        step(b, b, first=(b < _NBUF - _K), last=False)

    def group(g, carry):
        for b in range(_NBUF):
            step(g * _NBUF + b, b, first=False, last=False)
        return carry

    lax.fori_loop(1, _NGRP - 1, group, 0, unroll=False)

    for b in range(_NBUF):
        c = (_NGRP - 1) * _NBUF + b
        step(c, b, first=False, last=(b >= _NBUF - _K))

    for c in range(_NCHUNK - (_NBUF - _K), _NCHUNK):
        wwait(c, c % _NBUF)


@jax.jit
def _bigram_logits(idx_flat, table):
    idx_grp = idx_flat.reshape(_NW, _NCHUNK, _CH)
    run = pl.kernel(
        _gather_body,
        out_type=jax.ShapeDtypeStruct((_NTOK, _VOCAB), jnp.float32),
        mesh=plsc.VectorSubcoreMesh(core_axis_name="c", subcore_axis_name="s"),
        scratch_types=[
            pltpu.VMEM((_NCHUNK, _CH), jnp.int32),
            pltpu.VMEM((_NBUF, _CH, _VOCAB), jnp.float32),
            pltpu.VMEM_SHARED((_VOCAB, _VOCAB), jnp.float32),
            [pltpu.SemaphoreType.DMA] * _NBUF,
            [pltpu.SemaphoreType.DMA] * _NBUF,
        ],
        compiler_params=pltpu.CompilerParams(use_tc_tiling_on_sc=False),
    )
    return run(idx_grp, table)


def kernel(idx, table):
    flat = _bigram_logits(idx.astype(jnp.int32).reshape(_NTOK), table)
    return flat.reshape(_B, _T, _VOCAB)

# --- scband reference (transcript-rebuilt; emitter-appended) ---
"""Pipeline reference for scband-bigram-language-model-2456721293540 (READ-ONLY COPY).

The authoritative reference and input builder live on the scoring server;
editing this copy changes nothing except your own understanding.
"""

import jax, jax.numpy as jnp
import numpy as np

VOCAB = 1000
B = 1024
T = 50

def setup_inputs(seed: int = 0) -> dict:
    key = jax.random.key(seed)
    k1, k2 = jax.random.split(key)
    idx = jax.random.randint(k1, (B, T), 0, VOCAB, dtype=jnp.int64 if jax.config.jax_enable_x64 else jnp.int32)
    # learned parameter: token embedding table of shape [vocab_size, vocab_size]
    table = jax.random.normal(k2, (VOCAB, VOCAB), dtype=jnp.float32) * 0.02
    return {"idx": idx, "table": table}

def reference(idx, table):
    # BigramLanguageModel.call with targets=None:
    # logits = token_embedding_table(idx); loss = None
    logits = jnp.take(table, idx, axis=0)  # [B, T, vocab]
    return logits

if __name__ == "__main__":
    import jax
    _d = setup_inputs()
    print(jax.jit(kernel)(*tuple(_d.values())))

</pallas_src>

<mosaic_0001>
#map = affine_map<(d0, d1) -> (0, 0, 0)>
#map1 = affine_map<(d0, d1) -> (0, 0)>
module attributes {stable_mosaic.version = 14 : i64} {
  func.func @_gather_body(%arg0: i32, %arg1: i32, %arg2: memref<32x100x16xi32, #tpu.memory_space<hbm>>, %arg3: memref<1000x1000xf32, #tpu.memory_space<hbm>>, %arg4: memref<51200x1000xf32, #tpu.memory_space<hbm>>, %arg5: memref<100x16xi32, #tpu.memory_space<vmem>>, %arg6: memref<4x16x1000xf32, #tpu.memory_space<vmem>>, %arg7: memref<1000x1000xf32, #tpu.memory_space<vmem_shared>>, %arg8: memref<!tpu.dma_semaphore, #tpu.memory_space<semaphore_mem>>, %arg9: memref<!tpu.dma_semaphore, #tpu.memory_space<semaphore_mem>>, %arg10: memref<!tpu.dma_semaphore, #tpu.memory_space<semaphore_mem>>, %arg11: memref<!tpu.dma_semaphore, #tpu.memory_space<semaphore_mem>>, %arg12: memref<!tpu.dma_semaphore, #tpu.memory_space<semaphore_mem>>, %arg13: memref<!tpu.dma_semaphore, #tpu.memory_space<semaphore_mem>>, %arg14: memref<!tpu.dma_semaphore, #tpu.memory_space<semaphore_mem>>, %arg15: memref<!tpu.dma_semaphore, #tpu.memory_space<semaphore_mem>>) attributes {dimension_semantics = [#tpu.dimension_semantics<core_parallel>, #tpu.dimension_semantics<subcore_parallel>], iteration_bounds = array<i64: 2, 16>, scalar_prefetch = 0 : i64, scratch_operands = 11 : i64, tpu.core_type = #tpu.core_type<sc_vector_subcore>, window_params = [{transform_indices = #map}, {transform_indices = #map1}, {transform_indices = #map1}]} {
    %mul3A = arith.constant 2 : i32
    %mul3A_0 = arith.muli %arg1, %mul3A : i32
    %add3A = arith.addi %mul3A_0, %arg0 : i32
    %mul3A_1 = arith.constant 1600 : i32
    %mul3A_2 = arith.muli %add3A, %mul3A_1 : i32
    "tpu.region"() ({
      %run_scoped3A = tpu.sem_alloc : memref<!tpu.dma_semaphore, #tpu.memory_space<semaphore_mem>>
      %dma_start3A_440 = arith.constant 0 : i32
      %dma_start3A_441 = arith.constant 0 : i32
      %dma_start3A_442 = tpu.memref_slice %arg2[%add3A, %dma_start3A_440, %dma_start3A_441] : memref<32x100x16xi32, #tpu.memory_space<hbm>> -> memref<1x100x16xi32, #tpu.memory_space<hbm>>
      %dma_start3A_443 = tpu.memref_squeeze %dma_start3A_442 : memref<1x100x16xi32, #tpu.memory_space<hbm>> -> memref<100x16xi32, #tpu.memory_space<hbm>>
      %dma_start3A_444 = arith.constant 0 : i32
      %dma_start3A_445 = arith.constant 0 : i32
      %dma_start3A_446 = tpu.memref_slice %arg2[%add3A, %dma_start3A_444, %dma_start3A_445] : memref<32x100x16xi32, #tpu.memory_space<hbm>> -> memref<1x100x16xi32, #tpu.memory_space<hbm>>
      %dma_start3A_447 = tpu.memref_squeeze %dma_start3A_446 : memref<1x100x16xi32, #tpu.memory_space<hbm>> -> memref<100x16xi32, #tpu.memory_space<hbm>>
      tpu.enqueue_dma source(%dma_start3A_447 : memref<100x16xi32, #tpu.memory_space<hbm>>) target(%arg5 : memref<100x16xi32, #tpu.memory_space<vmem>>) target_semaphore(%run_scoped3A : memref<!tpu.dma_semaphore, #tpu.memory_space<semaphore_mem>>)
      %dma_wait3A_448 = arith.constant 0 : i32
      %dma_wait3A_449 = arith.constant 0 : i32
      %dma_wait3A_450 = tpu.memref_slice %arg2[%add3A, %dma_wait3A_448, %dma_wait3A_449] : memref<32x100x16xi32, #tpu.memory_space<hbm>> -> memref<1x100x16xi32, #tpu.memory_space<hbm>>
      %dma_wait3A_451 = tpu.memref_squeeze %dma_wait3A_450 : memref<1x100x16xi32, #tpu.memory_space<hbm>> -> memref<100x16xi32, #tpu.memory_space<hbm>>
      %dma_wait3A_452 = arith.constant 0 : i32
      %dma_wait3A_453 = arith.constant 0 : i32
      %dma_wait3A_454 = tpu.memref_slice %arg2[%add3A, %dma_wait3A_452, %dma_wait3A_453] : memref<32x100x16xi32, #tpu.memory_space<hbm>> -> memref<1x100x16xi32, #tpu.memory_space<hbm>>
      %dma_wait3A_455 = tpu.memref_squeeze %dma_wait3A_454 : memref<1x100x16xi32, #tpu.memory_space<hbm>> -> memref<100x16xi32, #tpu.memory_space<hbm>>
      tpu.wait_dma2 semaphore(%run_scoped3A : memref<!tpu.dma_semaphore, #tpu.memory_space<semaphore_mem>>) src(%dma_wait3A_455 : memref<100x16xi32, #tpu.memory_space<hbm>>) dst(%arg5 : memref<100x16xi32, #tpu.memory_space<vmem>>)
      tpu.yield
    }) : () -> ()
    %lt3A = arith.constant 8 : i32
    %lt3A_3 = arith.cmpi slt, %arg1, %lt3A : i32
    %convert_element_type3A = arith.extui %lt3A_3 : i1 to i32
    %cond3A = arith.constant 0 : i32
    %cond3A_4 = arith.cmpi ne, %convert_element_type3A, %cond3A : i32
    scf.if %cond3A_4 {
      %mul3A_440 = arith.constant 125 : i32
      %mul3A_441 = arith.muli %arg1, %mul3A_440 : i32
      %mul3A_442 = arith.constant 125 : i32
      %mul3A_443 = arith.muli %arg1, %mul3A_442 : i32
      "tpu.region"() ({
        %run_scoped3A = tpu.sem_alloc : memref<!tpu.dma_semaphore, #tpu.memory_space<semaphore_mem>>
        %dma_start3A_444 = arith.constant 0 : i32
        %dma_start3A_445 = tpu.memref_slice %arg7[%mul3A_443, %dma_start3A_444] : memref<1000x1000xf32, #tpu.memory_space<vmem_shared>> -> memref<125x1000xf32, #tpu.memory_space<vmem_shared>>
        %dma_start3A_446 = arith.constant 0 : i32
        %dma_start3A_447 = tpu.memref_slice %arg3[%mul3A_441, %dma_start3A_446] : memref<1000x1000xf32, #tpu.memory_space<hbm>> -> memref<125x1000xf32, #tpu.memory_space<hbm>>
        tpu.enqueue_dma source(%dma_start3A_447 : memref<125x1000xf32, #tpu.memory_space<hbm>>) target(%dma_start3A_445 : memref<125x1000xf32, #tpu.memory_space<vmem_shared>>) target_semaphore(%run_scoped3A : memref<!tpu.dma_semaphore, #tpu.memory_space<semaphore_mem>>)
        %dma_wait3A_448 = arith.constant 0 : i32
        %dma_wait3A_449 = tpu.memref_slice %arg7[%mul3A_443, %dma_wait3A_448] : memref<1000x1000xf32, #tpu.memory_space<vmem_shared>> -> memref<125x1000xf32, #tpu.memory_space<vmem_shared>>
        %dma_wait3A_450 = arith.constant 0 : i32
        %dma_wait3A_451 = tpu.memref_slice %arg3[%mul3A_441, %dma_wait3A_450] : memref<1000x1000xf32, #tpu.memory_space<hbm>> -> memref<125x1000xf32, #tpu.memory_space<hbm>>
        tpu.wait_dma2 semaphore(%run_scoped3A : memref<!tpu.dma_semaphore, #tpu.memory_space<semaphore_mem>>) src(%dma_wait3A_451 : memref<125x1000xf32, #tpu.memory_space<hbm>>) dst(%dma_wait3A_449 : memref<125x1000xf32, #tpu.memory_space<vmem_shared>>)
        tpu.yield
      }) : () -> ()
    } else {
    }
    %barrier3A = arith.constant 0 : index
    tpu.barrier barrier_id(%barrier3A)
    %dma_start3A = arith.constant 0 : i32
    %dma_start3A_5 = arith.constant 0 : i32
    %dma_start3A_6 = arith.constant 0 : i32
    %dma_start3A_7 = arith.constant 0 : i32
    %dma_start3A_8 = tpu.memref_slice %arg6[%dma_start3A_5, %dma_start3A_6, %dma_start3A_7] : memref<4x16x1000xf32, #tpu.memory_space<vmem>> -> memref<1x16x1000xf32, #tpu.memory_space<vmem>>
    %dma_start3A_9 = tpu.memref_squeeze %dma_start3A_8 : memref<1x16x1000xf32, #tpu.memory_space<vmem>> -> memref<16x1000xf32, #tpu.memory_space<vmem>>
    %dma_start3A_10 = arith.constant 0 : i32
    %dma_start3A_11 = tpu.memref_slice %arg5[%dma_start3A, %dma_start3A_10] : memref<100x16xi32, #tpu.memory_space<vmem>> -> memref<1x16xi32, #tpu.memory_space<vmem>>
    %dma_start3A_12 = tpu.memref_squeeze %dma_start3A_11 : memref<1x16xi32, #tpu.memory_space<vmem>> -> memref<16xi32, #tpu.memory_space<vmem>>
    %dma_start3A_13 = arith.constant 0 : i32
    %dma_start3A_14 = arith.constant 0 : i32
    %dma_start3A_15 = tpu.memref_slice %arg7[%dma_start3A_13, %dma_start3A_14] : memref<1000x1000xf32, #tpu.memory_space<vmem_shared>> -> memref<1000x1000xf32, #tpu.memory_space<vmem_shared>>
    tpu.enqueue_indirect_dma source(%dma_start3A_15 : memref<1000x1000xf32, #tpu.memory_space<vmem_shared>>) target(%dma_start3A_9 : memref<16x1000xf32, #tpu.memory_space<vmem>>) offsets(%dma_start3A_12 : memref<16xi32, #tpu.memory_space<vmem>>) semaphore(%arg8 : memref<!tpu.dma_semaphore, #tpu.memory_space<semaphore_mem>>)
    %dma_start3A_16 = arith.constant 1 : i32
    %dma_start3A_17 = arith.constant 1 : i32
    %dma_start3A_18 = arith.constant 0 : i32
    %dma_start3A_19 = arith.constant 0 : i32
    %dma_start3A_20 = tpu.memref_slice %arg6[%dma_start3A_17, %dma_start3A_18, %dma_start3A_19] : memref<4x16x1000xf32, #tpu.memory_space<vmem>> -> memref<1x16x1000xf32, #tpu.memory_space<vmem>>
    %dma_start3A_21 = tpu.memref_squeeze %dma_start3A_20 : memref<1x16x1000xf32, #tpu.memory_space<vmem>> -> memref<16x1000xf32, #tpu.memory_space<vmem>>
    %dma_start3A_22 = arith.constant 0 : i32
    %dma_start3A_23 = tpu.memref_slice %arg5[%dma_start3A_16, %dma_start3A_22] : memref<100x16xi32, #tpu.memory_space<vmem>> -> memref<1x16xi32, #tpu.memory_space<vmem>>
    %dma_start3A_24 = tpu.memref_squeeze %dma_start3A_23 : memref<1x16xi32, #tpu.memory_space<vmem>> -> memref<16xi32, #tpu.memory_space<vmem>>
    %dma_start3A_25 = arith.constant 0 : i32
    %dma_start3A_26 = arith.constant 0 : i32
    %dma_start3A_27 = tpu.memref_slice %arg7[%dma_start3A_25, %dma_start3A_26] : memref<1000x1000xf32, #tpu.memory_space<vmem_shared>> -> memref<1000x1000xf32, #tpu.memory_space<vmem_shared>>
    tpu.enqueue_indirect_dma source(%dma_start3A_27 : memref<1000x1000xf32, #tpu.memory_space<vmem_shared>>) target(%dma_start3A_21 : memref<16x1000xf32, #tpu.memory_space<vmem>>) offsets(%dma_start3A_24 : memref<16xi32, #tpu.memory_space<vmem>>) semaphore(%arg9 : memref<!tpu.dma_semaphore, #tpu.memory_space<semaphore_mem>>)
    %dma_start3A_28 = arith.constant 2 : i32
    %dma_start3A_29 = arith.constant 2 : i32
    %dma_start3A_30 = arith.constant 0 : i32
    %dma_start3A_31 = arith.constant 0 : i32
    %dma_start3A_32 = tpu.memref_slice %arg6[%dma_start3A_29, %dma_start3A_30, %dma_start3A_31] : memref<4x16x1000xf32, #tpu.memory_space<vmem>> -> memref<1x16x1000xf32, #tpu.memory_space<vmem>>
    %dma_start3A_33 = tpu.memref_squeeze %dma_start3A_32 : memref<1x16x1000xf32, #tpu.memory_space<vmem>> -> memref<16x1000xf32, #tpu.memory_space<vmem>>
    %dma_start3A_34 = arith.constant 0 : i32
    %dma_start3A_35 = tpu.memref_slice %arg5[%dma_start3A_28, %dma_start3A_34] : memref<100x16xi32, #tpu.memory_space<vmem>> -> memref<1x16xi32, #tpu.memory_space<vmem>>
    %dma_start3A_36 = tpu.memref_squeeze %dma_start3A_35 : memref<1x16xi32, #tpu.memory_space<vmem>> -> memref<16xi32, #tpu.memory_space<vmem>>
    %dma_start3A_37 = arith.constant 0 : i32
    %dma_start3A_38 = arith.constant 0 : i32
    %dma_start3A_39 = tpu.memref_slice %arg7[%dma_start3A_37, %dma_start3A_38] : memref<1000x1000xf32, #tpu.memory_space<vmem_shared>> -> memref<1000x1000xf32, #tpu.memory_space<vmem_shared>>
    tpu.enqueue_indirect_dma source(%dma_start3A_39 : memref<1000x1000xf32, #tpu.memory_space<vmem_shared>>) target(%dma_start3A_33 : memref<16x1000xf32, #tpu.memory_space<vmem>>) offsets(%dma_start3A_36 : memref<16xi32, #tpu.memory_space<vmem>>) semaphore(%arg10 : memref<!tpu.dma_semaphore, #tpu.memory_space<semaphore_mem>>)
    %dma_wait3A = arith.constant 0 : i32
    %dma_wait3A_40 = arith.constant 0 : i32
    %dma_wait3A_41 = arith.constant 0 : i32
    %dma_wait3A_42 = arith.constant 0 : i32
    %dma_wait3A_43 = tpu.memref_slice %arg6[%dma_wait3A_40, %dma_wait3A_41, %dma_wait3A_42] : memref<4x16x1000xf32, #tpu.memory_space<vmem>> -> memref<1x16x1000xf32, #tpu.memory_space<vmem>>
    %dma_wait3A_44 = tpu.memref_squeeze %dma_wait3A_43 : memref<1x16x1000xf32, #tpu.memory_space<vmem>> -> memref<16x1000xf32, #tpu.memory_space<vmem>>
    %dma_wait3A_45 = arith.constant 0 : i32
    %dma_wait3A_46 = tpu.memref_slice %arg5[%dma_wait3A, %dma_wait3A_45] : memref<100x16xi32, #tpu.memory_space<vmem>> -> memref<1x16xi32, #tpu.memory_space<vmem>>
    %dma_wait3A_47 = tpu.memref_squeeze %dma_wait3A_46 : memref<1x16xi32, #tpu.memory_space<vmem>> -> memref<16xi32, #tpu.memory_space<vmem>>
    %dma_wait3A_48 = arith.constant 0 : i32
    %dma_wait3A_49 = arith.constant 0 : i32
    %dma_wait3A_50 = tpu.memref_slice %arg7[%dma_wait3A_48, %dma_wait3A_49] : memref<1000x1000xf32, #tpu.memory_space<vmem_shared>> -> memref<1000x1000xf32, #tpu.memory_space<vmem_shared>>
    tpu.wait_indirect_dma semaphore(%arg8 : memref<!tpu.dma_semaphore, #tpu.memory_space<semaphore_mem>>) src(%dma_wait3A_50 : memref<1000x1000xf32, #tpu.memory_space<vmem_shared>>) dst(%dma_wait3A_44 : memref<16x1000xf32, #tpu.memory_space<vmem>>)
    %add3A_51 = arith.constant 0 : i32
    %add3A_52 = arith.addi %mul3A_2, %add3A_51 : i32
    %dma_start3A_53 = arith.constant 0 : i32
    %dma_start3A_54 = arith.constant 0 : i32
    %dma_start3A_55 = arith.constant 0 : i32
    %dma_start3A_56 = tpu.memref_slice %arg6[%dma_start3A_53, %dma_start3A_54, %dma_start3A_55] : memref<4x16x1000xf32, #tpu.memory_space<vmem>> -> memref<1x16x1000xf32, #tpu.memory_space<vmem>>
    %dma_start3A_57 = tpu.memref_squeeze %dma_start3A_56 : memref<1x16x1000xf32, #tpu.memory_space<vmem>> -> memref<16x1000xf32, #tpu.memory_space<vmem>>
    %dma_start3A_58 = arith.constant 0 : i32
    %dma_start3A_59 = tpu.memref_slice %arg4[%add3A_52, %dma_start3A_58] : memref<51200x1000xf32, #tpu.memory_space<hbm>> -> memref<16x1000xf32, #tpu.memory_space<hbm>>
    %dma_start3A_60 = arith.constant 0 : i32
    %dma_start3A_61 = tpu.memref_slice %arg4[%add3A_52, %dma_start3A_60] : memref<51200x1000xf32, #tpu.memory_space<hbm>> -> memref<16x1000xf32, #tpu.memory_space<hbm>>
    %dma_start3A_62 = arith.constant 0 : i32
    %dma_start3A_63 = arith.constant 0 : i32
    %dma_start3A_64 = tpu.memref_slice %arg6[%dma_start3A_53, %dma_start3A_62, %dma_start3A_63] : memref<4x16x1000xf32, #tpu.memory_space<vmem>> -> memref<1x16x1000xf32, #tpu.memory_space<vmem>>
    %dma_start3A_65 = tpu.memref_squeeze %dma_start3A_64 : memref<1x16x1000xf32, #tpu.memory_space<vmem>> -> memref<16x1000xf32, #tpu.memory_space<vmem>>
    tpu.enqueue_dma source(%dma_start3A_65 : memref<16x1000xf32, #tpu.memory_space<vmem>>) target(%dma_start3A_61 : memref<16x1000xf32, #tpu.memory_space<hbm>>) target_semaphore(%arg12 : memref<!tpu.dma_semaphore, #tpu.memory_space<semaphore_mem>>)
    %dma_start3A_66 = arith.constant 3 : i32
    %dma_start3A_67 = arith.constant 3 : i32
    %dma_start3A_68 = arith.constant 0 : i32
    %dma_start3A_69 = arith.constant 0 : i32
    %dma_start3A_70 = tpu.memref_slice %arg6[%dma_start3A_67, %dma_start3A_68, %dma_start3A_69] : memref<4x16x1000xf32, #tpu.memory_space<vmem>> -> memref<1x16x1000xf32, #tpu.memory_space<vmem>>
    %dma_start3A_71 = tpu.memref_squeeze %dma_start3A_70 : memref<1x16x1000xf32, #tpu.memory_space<vmem>> -> memref<16x1000xf32, #tpu.memory_space<vmem>>
    %dma_start3A_72 = arith.constant 0 : i32
    %dma_start3A_73 = tpu.memref_slice %arg5[%dma_start3A_66, %dma_start3A_72] : memref<100x16xi32, #tpu.memory_space<vmem>> -> memref<1x16xi32, #tpu.memory_space<vmem>>
    %dma_start3A_74 = tpu.memref_squeeze %dma_start3A_73 : memref<1x16xi32, #tpu.memory_space<vmem>> -> memref<16xi32, #tpu.memory_space<vmem>>
    %dma_start3A_75 = arith.constant 0 : i32
    %dma_start3A_76 = arith.constant 0 : i32
    %dma_start3A_77 = tpu.memref_slice %arg7[%dma_start3A_75, %dma_start3A_76] : memref<1000x1000xf32, #tpu.memory_space<vmem_shared>> -> memref<1000x1000xf32, #tpu.memory_space<vmem_shared>>
    tpu.enqueue_indirect_dma source(%dma_start3A_77 : memref<1000x1000xf32, #tpu.memory_space<vmem_shared>>) target(%dma_start3A_71 : memref<16x1000xf32, #tpu.memory_space<vmem>>) offsets(%dma_start3A_74 : memref<16xi32, #tpu.memory_space<vmem>>) semaphore(%arg11 : memref<!tpu.dma_semaphore, #tpu.memory_space<semaphore_mem>>)
    %dma_wait3A_78 = arith.constant 1 : i32
    %dma_wait3A_79 = arith.constant 1 : i32
    %dma_wait3A_80 = arith.constant 0 : i32
    %dma_wait3A_81 = arith.constant 0 : i32
    %dma_wait3A_82 = tpu.memref_slice %arg6[%dma_wait3A_79, %dma_wait3A_80, %dma_wait3A_81] : memref<4x16x1000xf32, #tpu.memory_space<vmem>> -> memref<1x16x1000xf32, #tpu.memory_space<vmem>>
    %dma_wait3A_83 = tpu.memref_squeeze %dma_wait3A_82 : memref<1x16x1000xf32, #tpu.memory_space<vmem>> -> memref<16x1000xf32, #tpu.memory_space<vmem>>
    %dma_wait3A_84 = arith.constant 0 : i32
    %dma_wait3A_85 = tpu.memref_slice %arg5[%dma_wait3A_78, %dma_wait3A_84] : memref<100x16xi32, #tpu.memory_space<vmem>> -> memref<1x16xi32, #tpu.memory_space<vmem>>
    %dma_wait3A_86 = tpu.memref_squeeze %dma_wait3A_85 : memref<1x16xi32, #tpu.memory_space<vmem>> -> memref<16xi32, #tpu.memory_space<vmem>>
    %dma_wait3A_87 = arith.constant 0 : i32
    %dma_wait3A_88 = arith.constant 0 : i32
    %dma_wait3A_89 = tpu.memref_slice %arg7[%dma_wait3A_87, %dma_wait3A_88] : memref<1000x1000xf32, #tpu.memory_space<vmem_shared>> -> memref<1000x1000xf32, #tpu.memory_space<vmem_shared>>
    tpu.wait_indirect_dma semaphore(%arg9 : memref<!tpu.dma_semaphore, #tpu.memory_space<semaphore_mem>>) src(%dma_wait3A_89 : memref<1000x1000xf32, #tpu.memory_space<vmem_shared>>) dst(%dma_wait3A_83 : memref<16x1000xf32, #tpu.memory_space<vmem>>)
    %add3A_90 = arith.constant 16 : i32
    %add3A_91 = arith.addi %mul3A_2, %add3A_90 : i32
    %dma_start3A_92 = arith.constant 1 : i32
    %dma_start3A_93 = arith.constant 0 : i32
    %dma_start3A_94 = arith.constant 0 : i32
    %dma_start3A_95 = tpu.memref_slice %arg6[%dma_start3A_92, %dma_start3A_93, %dma_start3A_94] : memref<4x16x1000xf32, #tpu.memory_space<vmem>> -> memref<1x16x1000xf32, #tpu.memory_space<vmem>>
    %dma_start3A_96 = tpu.memref_squeeze %dma_start3A_95 : memref<1x16x1000xf32, #tpu.memory_space<vmem>> -> memref<16x1000xf32, #tpu.memory_space<vmem>>
    %dma_start3A_97 = arith.constant 0 : i32
    %dma_start3A_98 = tpu.memref_slice %arg4[%add3A_91, %dma_start3A_97] : memref<51200x1000xf32, #tpu.memory_space<hbm>> -> memref<16x1000xf32, #tpu.memory_space<hbm>>
    %dma_start3A_99 = arith.constant 0 : i32
    %dma_start3A_100 = tpu.memref_slice %arg4[%add3A_91, %dma_start3A_99] : memref<51200x1000xf32, #tpu.memory_space<hbm>> -> memref<16x1000xf32, #tpu.memory_space<hbm>>
    %dma_start3A_101 = arith.constant 0 : i32
    %dma_start3A_102 = arith.constant 0 : i32
    %dma_start3A_103 = tpu.memref_slice %arg6[%dma_start3A_92, %dma_start3A_101, %dma_start3A_102] : memref<4x16x1000xf32, #tpu.memory_space<vmem>> -> memref<1x16x1000xf32, #tpu.memory_space<vmem>>
    %dma_start3A_104 = tpu.memref_squeeze %dma_start3A_103 : memref<1x16x1000xf32, #tpu.memory_space<vmem>> -> memref<16x1000xf32, #tpu.memory_space<vmem>>
    tpu.enqueue_dma source(%dma_start3A_104 : memref<16x1000xf32, #tpu.memory_space<vmem>>) target(%dma_start3A_100 : memref<16x1000xf32, #tpu.memory_space<hbm>>) target_semaphore(%arg13 : memref<!tpu.dma_semaphore, #tpu.memory_space<semaphore_mem>>)
    %add3A_105 = arith.constant 0 : i32
    %add3A_106 = arith.addi %mul3A_2, %add3A_105 : i32
    %dma_wait3A_107 = arith.constant 0 : i32
    %dma_wait3A_108 = arith.constant 0 : i32
    %dma_wait3A_109 = arith.constant 0 : i32
    %dma_wait3A_110 = tpu.memref_slice %arg6[%dma_wait3A_107, %dma_wait3A_108, %dma_wait3A_109] : memref<4x16x1000xf32, #tpu.memory_space<vmem>> -> memref<1x16x1000xf32, #tpu.memory_space<vmem>>
    %dma_wait3A_111 = tpu.memref_squeeze %dma_wait3A_110 : memref<1x16x1000xf32, #tpu.memory_space<vmem>> -> memref<16x1000xf32, #tpu.memory_space<vmem>>
    %dma_wait3A_112 = arith.constant 0 : i32
    %dma_wait3A_113 = tpu.memref_slice %arg4[%add3A_106, %dma_wait3A_112] : memref<51200x1000xf32, #tpu.memory_space<hbm>> -> memref<16x1000xf32, #tpu.memory_space<hbm>>
    %dma_wait3A_114 = arith.constant 0 : i32
    %dma_wait3A_115 = tpu.memref_slice %arg4[%add3A_106, %dma_wait3A_114] : memref<51200x1000xf32, #tpu.memory_space<hbm>> -> memref<16x1000xf32, #tpu.memory_space<hbm>>
    %dma_wait3A_116 = arith.constant 0 : i32
    %dma_wait3A_117 = arith.constant 0 : i32
    %dma_wait3A_118 = tpu.memref_slice %arg6[%dma_wait3A_107, %dma_wait3A_116, %dma_wait3A_117] : memref<4x16x1000xf32, #tpu.memory_space<vmem>> -> memref<1x16x1000xf32, #tpu.memory_space<vmem>>
    %dma_wait3A_119 = tpu.memref_squeeze %dma_wait3A_118 : memref<1x16x1000xf32, #tpu.memory_space<vmem>> -> memref<16x1000xf32, #tpu.memory_space<vmem>>
    tpu.wait_dma2 semaphore(%arg12 : memref<!tpu.dma_semaphore, #tpu.memory_space<semaphore_mem>>) src(%dma_wait3A_119 : memref<16x1000xf32, #tpu.memory_space<vmem>>) dst(%dma_wait3A_115 : memref<16x1000xf32, #tpu.memory_space<hbm>>)
    %dma_start3A_120 = arith.constant 4 : i32
    %dma_start3A_121 = arith.constant 0 : i32
    %dma_start3A_122 = arith.constant 0 : i32
    %dma_start3A_123 = arith.constant 0 : i32
    %dma_start3A_124 = tpu.memref_slice %arg6[%dma_start3A_121, %dma_start3A_122, %dma_start3A_123] : memref<4x16x1000xf32, #tpu.memory_space<vmem>> -> memref<1x16x1000xf32, #tpu.memory_space<vmem>>
    %dma_start3A_125 = tpu.memref_squeeze %dma_start3A_124 : memref<1x16x1000xf32, #tpu.memory_space<vmem>> -> memref<16x1000xf32, #tpu.memory_space<vmem>>
    %dma_start3A_126 = arith.constant 0 : i32
    %dma_start3A_127 = tpu.memref_slice %arg5[%dma_start3A_120, %dma_start3A_126] : memref<100x16xi32, #tpu.memory_space<vmem>> -> memref<1x16xi32, #tpu.memory_space<vmem>>
    %dma_start3A_128 = tpu.memref_squeeze %dma_start3A_127 : memref<1x16xi32, #tpu.memory_space<vmem>> -> memref<16xi32, #tpu.memory_space<vmem>>
    %dma_start3A_129 = arith.constant 0 : i32
    %dma_start3A_130 = arith.constant 0 : i32
    %dma_start3A_131 = tpu.memref_slice %arg7[%dma_start3A_129, %dma_start3A_130] : memref<1000x1000xf32, #tpu.memory_space<vmem_shared>> -> memref<1000x1000xf32, #tpu.memory_space<vmem_shared>>
    tpu.enqueue_indirect_dma source(%dma_start3A_131 : memref<1000x1000xf32, #tpu.memory_space<vmem_shared>>) target(%dma_start3A_125 : memref<16x1000xf32, #tpu.memory_space<vmem>>) offsets(%dma_start3A_128 : memref<16xi32, #tpu.memory_space<vmem>>) semaphore(%arg8 : memref<!tpu.dma_semaphore, #tpu.memory_space<semaphore_mem>>)
    %dma_wait3A_132 = arith.constant 2 : i32
    %dma_wait3A_133 = arith.constant 2 : i32
    %dma_wait3A_134 = arith.constant 0 : i32
    %dma_wait3A_135 = arith.constant 0 : i32
    %dma_wait3A_136 = tpu.memref_slice %arg6[%dma_wait3A_133, %dma_wait3A_134, %dma_wait3A_135] : memref<4x16x1000xf32, #tpu.memory_space<vmem>> -> memref<1x16x1000xf32, #tpu.memory_space<vmem>>
    %dma_wait3A_137 = tpu.memref_squeeze %dma_wait3A_136 : memref<1x16x1000xf32, #tpu.memory_space<vmem>> -> memref<16x1000xf32, #tpu.memory_space<vmem>>
    %dma_wait3A_138 = arith.constant 0 : i32
    %dma_wait3A_139 = tpu.memref_slice %arg5[%dma_wait3A_132, %dma_wait3A_138] : memref<100x16xi32, #tpu.memory_space<vmem>> -> memref<1x16xi32, #tpu.memory_space<vmem>>
    %dma_wait3A_140 = tpu.memref_squeeze %dma_wait3A_139 : memref<1x16xi32, #tpu.memory_space<vmem>> -> memref<16xi32, #tpu.memory_space<vmem>>
    %dma_wait3A_141 = arith.constant 0 : i32
    %dma_wait3A_142 = arith.constant 0 : i32
    %dma_wait3A_143 = tpu.memref_slice %arg7[%dma_wait3A_141, %dma_wait3A_142] : memref<1000x1000xf32, #tpu.memory_space<vmem_shared>> -> memref<1000x1000xf32, #tpu.memory_space<vmem_shared>>
    tpu.wait_indirect_dma semaphore(%arg10 : memref<!tpu.dma_semaphore, #tpu.memory_space<semaphore_mem>>) src(%dma_wait3A_143 : memref<1000x1000xf32, #tpu.memory_space<vmem_shared>>) dst(%dma_wait3A_137 : memref<16x1000xf32, #tpu.memory_space<vmem>>)
    %add3A_144 = arith.constant 32 : i32
    %add3A_145 = arith.addi %mul3A_2, %add3A_144 : i32
    %dma_start3A_146 = arith.constant 2 : i32
    %dma_start3A_147 = arith.constant 0 : i32
    %dma_start3A_148 = arith.constant 0 : i32
    %dma_start3A_149 = tpu.memref_slice %arg6[%dma_start3A_146, %dma_start3A_147, %dma_start3A_148] : memref<4x16x1000xf32, #tpu.memory_space<vmem>> -> memref<1x16x1000xf32, #tpu.memory_space<vmem>>
    %dma_start3A_150 = tpu.memref_squeeze %dma_start3A_149 : memref<1x16x1000xf32, #tpu.memory_space<vmem>> -> memref<16x1000xf32, #tpu.memory_space<vmem>>
    %dma_start3A_151 = arith.constant 0 : i32
    %dma_start3A_152 = tpu.memref_slice %arg4[%add3A_145, %dma_start3A_151] : memref<51200x1000xf32, #tpu.memory_space<hbm>> -> memref<16x1000xf32, #tpu.memory_space<hbm>>
    %dma_start3A_153 = arith.constant 0 : i32
    %dma_start3A_154 = tpu.memref_slice %arg4[%add3A_145, %dma_start3A_153] : memref<51200x1000xf32, #tpu.memory_space<hbm>> -> memref<16x1000xf32, #tpu.memory_space<hbm>>
    %dma_start3A_155 = arith.constant 0 : i32
    %dma_start3A_156 = arith.constant 0 : i32
    %dma_start3A_157 = tpu.memref_slice %arg6[%dma_start3A_146, %dma_start3A_155, %dma_start3A_156] : memref<4x16x1000xf32, #tpu.memory_space<vmem>> -> memref<1x16x1000xf32, #tpu.memory_space<vmem>>
    %dma_start3A_158 = tpu.memref_squeeze %dma_start3A_157 : memref<1x16x1000xf32, #tpu.memory_space<vmem>> -> memref<16x1000xf32, #tpu.memory_space<vmem>>
    tpu.enqueue_dma source(%dma_start3A_158 : memref<16x1000xf32, #tpu.memory_space<vmem>>) target(%dma_start3A_154 : memref<16x1000xf32, #tpu.memory_space<hbm>>) target_semaphore(%arg14 : memref<!tpu.dma_semaphore, #tpu.memory_space<semaphore_mem>>)
    %add3A_159 = arith.constant 16 : i32
    %add3A_160 = arith.addi %mul3A_2, %add3A_159 : i32
    %dma_wait3A_161 = arith.constant 1 : i32
    %dma_wait3A_162 = arith.constant 0 : i32
    %dma_wait3A_163 = arith.constant 0 : i32
    %dma_wait3A_164 = tpu.memref_slice %arg6[%dma_wait3A_161, %dma_wait3A_162, %dma_wait3A_163] : memref<4x16x1000xf32, #tpu.memory_space<vmem>> -> memref<1x16x1000xf32, #tpu.memory_space<vmem>>
    %dma_wait3A_165 = tpu.memref_squeeze %dma_wait3A_164 : memref<1x16x1000xf32, #tpu.memory_space<vmem>> -> memref<16x1000xf32, #tpu.memory_space<vmem>>
    %dma_wait3A_166 = arith.constant 0 : i32
    %dma_wait3A_167 = tpu.memref_slice %arg4[%add3A_160, %dma_wait3A_166] : memref<51200x1000xf32, #tpu.memory_space<hbm>> -> memref<16x1000xf32, #tpu.memory_space<hbm>>
    %dma_wait3A_168 = arith.constant 0 : i32
    %dma_wait3A_169 = tpu.memref_slice %arg4[%add3A_160, %dma_wait3A_168] : memref<51200x1000xf32, #tpu.memory_space<hbm>> -> memref<16x1000xf32, #tpu.memory_space<hbm>>
    %dma_wait3A_170 = arith.constant 0 : i32
    %dma_wait3A_171 = arith.constant 0 : i32
    %dma_wait3A_172 = tpu.memref_slice %arg6[%dma_wait3A_161, %dma_wait3A_170, %dma_wait3A_171] : memref<4x16x1000xf32, #tpu.memory_space<vmem>> -> memref<1x16x1000xf32, #tpu.memory_space<vmem>>
    %dma_wait3A_173 = tpu.memref_squeeze %dma_wait3A_172 : memref<1x16x1000xf32, #tpu.memory_space<vmem>> -> memref<16x1000xf32, #tpu.memory_space<vmem>>
    tpu.wait_dma2 semaphore(%arg13 : memref<!tpu.dma_semaphore, #tpu.memory_space<semaphore_mem>>) src(%dma_wait3A_173 : memref<16x1000xf32, #tpu.memory_space<vmem>>) dst(%dma_wait3A_169 : memref<16x1000xf32, #tpu.memory_space<hbm>>)
    %dma_start3A_174 = arith.constant 5 : i32
    %dma_start3A_175 = arith.constant 1 : i32
    %dma_start3A_176 = arith.constant 0 : i32
    %dma_start3A_177 = arith.constant 0 : i32
    %dma_start3A_178 = tpu.memref_slice %arg6[%dma_start3A_175, %dma_start3A_176, %dma_start3A_177] : memref<4x16x1000xf32, #tpu.memory_space<vmem>> -> memref<1x16x1000xf32, #tpu.memory_space<vmem>>
    %dma_start3A_179 = tpu.memref_squeeze %dma_start3A_178 : memref<1x16x1000xf32, #tpu.memory_space<vmem>> -> memref<16x1000xf32, #tpu.memory_space<vmem>>
    %dma_start3A_180 = arith.constant 0 : i32
    %dma_start3A_181 = tpu.memref_slice %arg5[%dma_start3A_174, %dma_start3A_180] : memref<100x16xi32, #tpu.memory_space<vmem>> -> memref<1x16xi32, #tpu.memory_space<vmem>>
    %dma_start3A_182 = tpu.memref_squeeze %dma_start3A_181 : memref<1x16xi32, #tpu.memory_space<vmem>> -> memref<16xi32, #tpu.memory_space<vmem>>
    %dma_start3A_183 = arith.constant 0 : i32
    %dma_start3A_184 = arith.constant 0 : i32
    %dma_start3A_185 = tpu.memref_slice %arg7[%dma_start3A_183, %dma_start3A_184] : memref<1000x1000xf32, #tpu.memory_space<vmem_shared>> -> memref<1000x1000xf32, #tpu.memory_space<vmem_shared>>
    tpu.enqueue_indirect_dma source(%dma_start3A_185 : memref<1000x1000xf32, #tpu.memory_space<vmem_shared>>) target(%dma_start3A_179 : memref<16x1000xf32, #tpu.memory_space<vmem>>) offsets(%dma_start3A_182 : memref<16xi32, #tpu.memory_space<vmem>>) semaphore(%arg9 : memref<!tpu.dma_semaphore, #tpu.memory_space<semaphore_mem>>)
    %dma_wait3A_186 = arith.constant 3 : i32
    %dma_wait3A_187 = arith.constant 3 : i32
    %dma_wait3A_188 = arith.constant 0 : i32
    %dma_wait3A_189 = arith.constant 0 : i32
    %dma_wait3A_190 = tpu.memref_slice %arg6[%dma_wait3A_187, %dma_wait3A_188, %dma_wait3A_189] : memref<4x16x1000xf32, #tpu.memory_space<vmem>> -> memref<1x16x1000xf32, #tpu.memory_space<vmem>>
    %dma_wait3A_191 = tpu.memref_squeeze %dma_wait3A_190 : memref<1x16x1000xf32, #tpu.memory_space<vmem>> -> memref<16x1000xf32, #tpu.memory_space<vmem>>
    %dma_wait3A_192 = arith.constant 0 : i32
    %dma_wait3A_193 = tpu.memref_slice %arg5[%dma_wait3A_186, %dma_wait3A_192] : memref<100x16xi32, #tpu.memory_space<vmem>> -> memref<1x16xi32, #tpu.memory_space<vmem>>
    %dma_wait3A_194 = tpu.memref_squeeze %dma_wait3A_193 : memref<1x16xi32, #tpu.memory_space<vmem>> -> memref<16xi32, #tpu.memory_space<vmem>>
    %dma_wait3A_195 = arith.constant 0 : i32
    %dma_wait3A_196 = arith.constant 0 : i32
    %dma_wait3A_197 = tpu.memref_slice %arg7[%dma_wait3A_195, %dma_wait3A_196] : memref<1000x1000xf32, #tpu.memory_space<vmem_shared>> -> memref<1000x1000xf32, #tpu.memory_space<vmem_shared>>
    tpu.wait_indirect_dma semaphore(%arg11 : memref<!tpu.dma_semaphore, #tpu.memory_space<semaphore_mem>>) src(%dma_wait3A_197 : memref<1000x1000xf32, #tpu.memory_space<vmem_shared>>) dst(%dma_wait3A_191 : memref<16x1000xf32, #tpu.memory_space<vmem>>)
    %add3A_198 = arith.constant 48 : i32
    %add3A_199 = arith.addi %mul3A_2, %add3A_198 : i32
    %dma_start3A_200 = arith.constant 3 : i32
    %dma_start3A_201 = arith.constant 0 : i32
    %dma_start3A_202 = arith.constant 0 : i32
    %dma_start3A_203 = tpu.memref_slice %arg6[%dma_start3A_200, %dma_start3A_201, %dma_start3A_202] : memref<4x16x1000xf32, #tpu.memory_space<vmem>> -> memref<1x16x1000xf32, #tpu.memory_space<vmem>>
    %dma_start3A_204 = tpu.memref_squeeze %dma_start3A_203 : memref<1x16x1000xf32, #tpu.memory_space<vmem>> -> memref<16x1000xf32, #tpu.memory_space<vmem>>
    %dma_start3A_205 = arith.constant 0 : i32
    %dma_start3A_206 = tpu.memref_slice %arg4[%add3A_199, %dma_start3A_205] : memref<51200x1000xf32, #tpu.memory_space<hbm>> -> memref<16x1000xf32, #tpu.memory_space<hbm>>
    %dma_start3A_207 = arith.constant 0 : i32
    %dma_start3A_208 = tpu.memref_slice %arg4[%add3A_199, %dma_start3A_207] : memref<51200x1000xf32, #tpu.memory_space<hbm>> -> memref<16x1000xf32, #tpu.memory_space<hbm>>
    %dma_start3A_209 = arith.constant 0 : i32
    %dma_start3A_210 = arith.constant 0 : i32
    %dma_start3A_211 = tpu.memref_slice %arg6[%dma_start3A_200, %dma_start3A_209, %dma_start3A_210] : memref<4x16x1000xf32, #tpu.memory_space<vmem>> -> memref<1x16x1000xf32, #tpu.memory_space<vmem>>
    %dma_start3A_212 = tpu.memref_squeeze %dma_start3A_211 : memref<1x16x1000xf32, #tpu.memory_space<vmem>> -> memref<16x1000xf32, #tpu.memory_space<vmem>>
    tpu.enqueue_dma source(%dma_start3A_212 : memref<16x1000xf32, #tpu.memory_space<vmem>>) target(%dma_start3A_208 : memref<16x1000xf32, #tpu.memory_space<hbm>>) target_semaphore(%arg15 : memref<!tpu.dma_semaphore, #tpu.memory_space<semaphore_mem>>)
    %scan3A = arith.constant 0 : i32
    %scan3A_213 = arith.constant 1 : i32
    %scan3A_214 = arith.constant 23 : i32
    %scan3A_215 = arith.addi %scan3A_213, %scan3A_214 : i32
    %scan3A_216 = arith.constant 1 : i32
    scf.for %scan3A_440 = %scan3A_213 to %scan3A_215 step %scan3A_216  : i32 {
      %mul3A_441 = arith.constant 4 : i32
      %mul3A_442 = arith.muli %scan3A_440, %mul3A_441 : i32
      %add3A_443 = arith.constant 0 : i32
      %add3A_444 = arith.addi %mul3A_442, %add3A_443 : i32
      %add3A_445 = arith.constant 2 : i32
      %add3A_446 = arith.addi %add3A_444, %add3A_445 : i32
      %sub3A = arith.constant 4 : i32
      %sub3A_447 = arith.subi %add3A_446, %sub3A : i32
      %mul3A_448 = arith.constant 16 : i32
      %mul3A_449 = arith.muli %sub3A_447, %mul3A_448 : i32
      %add3A_450 = arith.addi %mul3A_2, %mul3A_449 : i32
      %dma_wait3A_451 = arith.constant 2 : i32
      %dma_wait3A_452 = arith.constant 0 : i32
      %dma_wait3A_453 = arith.constant 0 : i32
      %dma_wait3A_454 = tpu.memref_slice %arg6[%dma_wait3A_451, %dma_wait3A_452, %dma_wait3A_453] : memref<4x16x1000xf32, #tpu.memory_space<vmem>> -> memref<1x16x1000xf32, #tpu.memory_space<vmem>>
      %dma_wait3A_455 = tpu.memref_squeeze %dma_wait3A_454 : memref<1x16x1000xf32, #tpu.memory_space<vmem>> -> memref<16x1000xf32, #tpu.memory_space<vmem>>
      %dma_wait3A_456 = arith.constant 0 : i32
      %dma_wait3A_457 = tpu.memref_slice %arg4[%add3A_450, %dma_wait3A_456] : memref<51200x1000xf32, #tpu.memory_space<hbm>> -> memref<16x1000xf32, #tpu.memory_space<hbm>>
      %dma_wait3A_458 = arith.constant 0 : i32
      %dma_wait3A_459 = tpu.memref_slice %arg4[%add3A_450, %dma_wait3A_458] : memref<51200x1000xf32, #tpu.memory_space<hbm>> -> memref<16x1000xf32, #tpu.memory_space<hbm>>
      %dma_wait3A_460 = arith.constant 0 : i32
      %dma_wait3A_461 = arith.constant 0 : i32
      %dma_wait3A_462 = tpu.memref_slice %arg6[%dma_wait3A_451, %dma_wait3A_460, %dma_wait3A_461] : memref<4x16x1000xf32, #tpu.memory_space<vmem>> -> memref<1x16x1000xf32, #tpu.memory_space<vmem>>
      %dma_wait3A_463 = tpu.memref_squeeze %dma_wait3A_462 : memref<1x16x1000xf32, #tpu.memory_space<vmem>> -> memref<16x1000xf32, #tpu.memory_space<vmem>>
      tpu.wait_dma2 semaphore(%arg14 : memref<!tpu.dma_semaphore, #tpu.memory_space<semaphore_mem>>) src(%dma_wait3A_463 : memref<16x1000xf32, #tpu.memory_space<vmem>>) dst(%dma_wait3A_459 : memref<16x1000xf32, #tpu.memory_space<hbm>>)
      %add3A_464 = arith.constant 2 : i32
      %add3A_465 = arith.addi %add3A_444, %add3A_464 : i32
      %dma_start3A_466 = arith.constant 2 : i32
      %dma_start3A_467 = arith.constant 0 : i32
      %dma_start3A_468 = arith.constant 0 : i32
      %dma_start3A_469 = tpu.memref_slice %arg6[%dma_start3A_466, %dma_start3A_467, %dma_start3A_468] : memref<4x16x1000xf32, #tpu.memory_space<vmem>> -> memref<1x16x1000xf32, #tpu.memory_space<vmem>>
      %dma_start3A_470 = tpu.memref_squeeze %dma_start3A_469 : memref<1x16x1000xf32, #tpu.memory_space<vmem>> -> memref<16x1000xf32, #tpu.memory_space<vmem>>
      %dma_start3A_471 = arith.constant 0 : i32
      %dma_start3A_472 = tpu.memref_slice %arg5[%add3A_465, %dma_start3A_471] : memref<100x16xi32, #tpu.memory_space<vmem>> -> memref<1x16xi32, #tpu.memory_space<vmem>>
      %dma_start3A_473 = tpu.memref_squeeze %dma_start3A_472 : memref<1x16xi32, #tpu.memory_space<vmem>> -> memref<16xi32, #tpu.memory_space<vmem>>
      %dma_start3A_474 = arith.constant 0 : i32
      %dma_start3A_475 = arith.constant 0 : i32
      %dma_start3A_476 = tpu.memref_slice %arg7[%dma_start3A_474, %dma_start3A_475] : memref<1000x1000xf32, #tpu.memory_space<vmem_shared>> -> memref<1000x1000xf32, #tpu.memory_space<vmem_shared>>
      tpu.enqueue_indirect_dma source(%dma_start3A_476 : memref<1000x1000xf32, #tpu.memory_space<vmem_shared>>) target(%dma_start3A_470 : memref<16x1000xf32, #tpu.memory_space<vmem>>) offsets(%dma_start3A_473 : memref<16xi32, #tpu.memory_space<vmem>>) semaphore(%arg10 : memref<!tpu.dma_semaphore, #tpu.memory_space<semaphore_mem>>)
      %dma_wait3A_477 = arith.constant 0 : i32
      %dma_wait3A_478 = arith.constant 0 : i32
      %dma_wait3A_479 = arith.constant 0 : i32
      %dma_wait3A_480 = tpu.memref_slice %arg6[%dma_wait3A_477, %dma_wait3A_478, %dma_wait3A_479] : memref<4x16x1000xf32, #tpu.memory_space<vmem>> -> memref<1x16x1000xf32, #tpu.memory_space<vmem>>
      %dma_wait3A_481 = tpu.memref_squeeze %dma_wait3A_480 : memref<1x16x1000xf32, #tpu.memory_space<vmem>> -> memref<16x1000xf32, #tpu.memory_space<vmem>>
      %dma_wait3A_482 = arith.constant 0 : i32
      %dma_wait3A_483 = tpu.memref_slice %arg5[%add3A_444, %dma_wait3A_482] : memref<100x16xi32, #tpu.memory_space<vmem>> -> memref<1x16xi32, #tpu.memory_space<vmem>>
      %dma_wait3A_484 = tpu.memref_squeeze %dma_wait3A_483 : memref<1x16xi32, #tpu.memory_space<vmem>> -> memref<16xi32, #tpu.memory_space<vmem>>
      %dma_wait3A_485 = arith.constant 0 : i32
      %dma_wait3A_486 = arith.constant 0 : i32
      %dma_wait3A_487 = tpu.memref_slice %arg7[%dma_wait3A_485, %dma_wait3A_486] : memref<1000x1000xf32, #tpu.memory_space<vmem_shared>> -> memref<1000x1000xf32, #tpu.memory_space<vmem_shared>>
      tpu.wait_indirect_dma semaphore(%arg8 : memref<!tpu.dma_semaphore, #tpu.memory_space<semaphore_mem>>) src(%dma_wait3A_487 : memref<1000x1000xf32, #tpu.memory_space<vmem_shared>>) dst(%dma_wait3A_481 : memref<16x1000xf32, #tpu.memory_space<vmem>>)
      %mul3A_488 = arith.constant 16 : i32
      %mul3A_489 = arith.muli %add3A_444, %mul3A_488 : i32
      %add3A_490 = arith.addi %mul3A_2, %mul3A_489 : i32
      %dma_start3A_491 = arith.constant 0 : i32
      %dma_start3A_492 = arith.constant 0 : i32
      %dma_start3A_493 = arith.constant 0 : i32
      %dma_start3A_494 = tpu.memref_slice %arg6[%dma_start3A_491, %dma_start3A_492, %dma_start3A_493] : memref<4x16x1000xf32, #tpu.memory_space<vmem>> -> memref<1x16x1000xf32, #tpu.memory_space<vmem>>
      %dma_start3A_495 = tpu.memref_squeeze %dma_start3A_494 : memref<1x16x1000xf32, #tpu.memory_space<vmem>> -> memref<16x1000xf32, #tpu.memory_space<vmem>>
      %dma_start3A_496 = arith.constant 0 : i32
      %dma_start3A_497 = tpu.memref_slice %arg4[%add3A_490, %dma_start3A_496] : memref<51200x1000xf32, #tpu.memory_space<hbm>> -> memref<16x1000xf32, #tpu.memory_space<hbm>>
      %dma_start3A_498 = arith.constant 0 : i32
      %dma_start3A_499 = tpu.memref_slice %arg4[%add3A_490, %dma_start3A_498] : memref<51200x1000xf32, #tpu.memory_space<hbm>> -> memref<16x1000xf32, #tpu.memory_space<hbm>>
      %dma_start3A_500 = arith.constant 0 : i32
      %dma_start3A_501 = arith.constant 0 : i32
      %dma_start3A_502 = tpu.memref_slice %arg6[%dma_start3A_491, %dma_start3A_500, %dma_start3A_501] : memref<4x16x1000xf32, #tpu.memory_space<vmem>> -> memref<1x16x1000xf32, #tpu.memory_space<vmem>>
      %dma_start3A_503 = tpu.memref_squeeze %dma_start3A_502 : memref<1x16x1000xf32, #tpu.memory_space<vmem>> -> memref<16x1000xf32, #tpu.memory_space<vmem>>
      tpu.enqueue_dma source(%dma_start3A_503 : memref<16x1000xf32, #tpu.memory_space<vmem>>) target(%dma_start3A_499 : memref<16x1000xf32, #tpu.memory_space<hbm>>) target_semaphore(%arg12 : memref<!tpu.dma_semaphore, #tpu.memory_space<semaphore_mem>>)
      %mul3A_504 = arith.constant 4 : i32
      %mul3A_505 = arith.muli %scan3A_440, %mul3A_504 : i32
      %add3A_506 = arith.constant 1 : i32
      %add3A_507 = arith.addi %mul3A_505, %add3A_506 : i32
      %add3A_508 = arith.constant 2 : i32
      %add3A_509 = arith.addi %add3A_507, %add3A_508 : i32
      %sub3A_510 = arith.constant 4 : i32
      %sub3A_511 = arith.subi %add3A_509, %sub3A_510 : i32
      %mul3A_512 = arith.constant 16 : i32
      %mul3A_513 = arith.muli %sub3A_511, %mul3A_512 : i32
      %add3A_514 = arith.addi %mul3A_2, %mul3A_513 : i32
      %dma_wait3A_515 = arith.constant 3 : i32
      %dma_wait3A_516 = arith.constant 0 : i32
      %dma_wait3A_517 = arith.constant 0 : i32
      %dma_wait3A_518 = tpu.memref_slice %arg6[%dma_wait3A_515, %dma_wait3A_516, %dma_wait3A_517] : memref<4x16x1000xf32, #tpu.memory_space<vmem>> -> memref<1x16x1000xf32, #tpu.memory_space<vmem>>
      %dma_wait3A_519 = tpu.memref_squeeze %dma_wait3A_518 : memref<1x16x1000xf32, #tpu.memory_space<vmem>> -> memref<16x1000xf32, #tpu.memory_space<vmem>>
      %dma_wait3A_520 = arith.constant 0 : i32
      %dma_wait3A_521 = tpu.memref_slice %arg4[%add3A_514, %dma_wait3A_520] : memref<51200x1000xf32, #tpu.memory_space<hbm>> -> memref<16x1000xf32, #tpu.memory_space<hbm>>
      %dma_wait3A_522 = arith.constant 0 : i32
      %dma_wait3A_523 = tpu.memref_slice %arg4[%add3A_514, %dma_wait3A_522] : memref<51200x1000xf32, #tpu.memory_space<hbm>> -> memref<16x1000xf32, #tpu.memory_space<hbm>>
      %dma_wait3A_524 = arith.constant 0 : i32
      %dma_wait3A_525 = arith.constant 0 : i32
      %dma_wait3A_526 = tpu.memref_slice %arg6[%dma_wait3A_515, %dma_wait3A_524, %dma_wait3A_525] : memref<4x16x1000xf32, #tpu.memory_space<vmem>> -> memref<1x16x1000xf32, #tpu.memory_space<vmem>>
      %dma_wait3A_527 = tpu.memref_squeeze %dma_wait3A_526 : memref<1x16x1000xf32, #tpu.memory_space<vmem>> -> memref<16x1000xf32, #tpu.memory_space<vmem>>
      tpu.wait_dma2 semaphore(%arg15 : memref<!tpu.dma_semaphore, #tpu.memory_space<semaphore_mem>>) src(%dma_wait3A_527 : memref<16x1000xf32, #tpu.memory_space<vmem>>) dst(%dma_wait3A_523 : memref<16x1000xf32, #tpu.memory_space<hbm>>)
      %add3A_528 = arith.constant 2 : i32
      %add3A_529 = arith.addi %add3A_507, %add3A_528 : i32
      %dma_start3A_530 = arith.constant 3 : i32
      %dma_start3A_531 = arith.constant 0 : i32
      %dma_start3A_532 = arith.constant 0 : i32
      %dma_start3A_533 = tpu.memref_slice %arg6[%dma_start3A_530, %dma_start3A_531, %dma_start3A_532] : memref<4x16x1000xf32, #tpu.memory_space<vmem>> -> memref<1x16x1000xf32, #tpu.memory_space<vmem>>
      %dma_start3A_534 = tpu.memref_squeeze %dma_start3A_533 : memref<1x16x1000xf32, #tpu.memory_space<vmem>> -> memref<16x1000xf32, #tpu.memory_space<vmem>>
      %dma_start3A_535 = arith.constant 0 : i32
      %dma_start3A_536 = tpu.memref_slice %arg5[%add3A_529, %dma_start3A_535] : memref<100x16xi32, #tpu.memory_space<vmem>> -> memref<1x16xi32, #tpu.memory_space<vmem>>
      %dma_start3A_537 = tpu.memref_squeeze %dma_start3A_536 : memref<1x16xi32, #tpu.memory_space<vmem>> -> memref<16xi32, #tpu.memory_space<vmem>>
      %dma_start3A_538 = arith.constant 0 : i32
      %dma_start3A_539 = arith.constant 0 : i32
      %dma_start3A_540 = tpu.memref_slice %arg7[%dma_start3A_538, %dma_start3A_539] : memref<1000x1000xf32, #tpu.memory_space<vmem_shared>> -> memref<1000x1000xf32, #tpu.memory_space<vmem_shared>>
      tpu.enqueue_indirect_dma source(%dma_start3A_540 : memref<1000x1000xf32, #tpu.memory_space<vmem_shared>>) target(%dma_start3A_534 : memref<16x1000xf32, #tpu.memory_space<vmem>>) offsets(%dma_start3A_537 : memref<16xi32, #tpu.memory_space<vmem>>) semaphore(%arg11 : memref<!tpu.dma_semaphore, #tpu.memory_space<semaphore_mem>>)
      %dma_wait3A_541 = arith.constant 1 : i32
      %dma_wait3A_542 = arith.constant 0 : i32
      %dma_wait3A_543 = arith.constant 0 : i32
      %dma_wait3A_544 = tpu.memref_slice %arg6[%dma_wait3A_541, %dma_wait3A_542, %dma_wait3A_543] : memref<4x16x1000xf32, #tpu.memory_space<vmem>> -> memref<1x16x1000xf32, #tpu.memory_space<vmem>>
      %dma_wait3A_545 = tpu.memref_squeeze %dma_wait3A_544 : memref<1x16x1000xf32, #tpu.memory_space<vmem>> -> memref<16x1000xf32, #tpu.memory_space<vmem>>
      %dma_wait3A_546 = arith.constant 0 : i32
      %dma_wait3A_547 = tpu.memref_slice %arg5[%add3A_507, %dma_wait3A_546] : memref<100x16xi32, #tpu.memory_space<vmem>> -> memref<1x16xi32, #tpu.memory_space<vmem>>
      %dma_wait3A_548 = tpu.memref_squeeze %dma_wait3A_547 : memref<1x16xi32, #tpu.memory_space<vmem>> -> memref<16xi32, #tpu.memory_space<vmem>>
      %dma_wait3A_549 = arith.constant 0 : i32
      %dma_wait3A_550 = arith.constant 0 : i32
      %dma_wait3A_551 = tpu.memref_slice %arg7[%dma_wait3A_549, %dma_wait3A_550] : memref<1000x1000xf32, #tpu.memory_space<vmem_shared>> -> memref<1000x1000xf32, #tpu.memory_space<vmem_shared>>
      tpu.wait_indirect_dma semaphore(%arg9 : memref<!tpu.dma_semaphore, #tpu.memory_space<semaphore_mem>>) src(%dma_wait3A_551 : memref<1000x1000xf32, #tpu.memory_space<vmem_shared>>) dst(%dma_wait3A_545 : memref<16x1000xf32, #tpu.memory_space<vmem>>)
      %mul3A_552 = arith.constant 16 : i32
      %mul3A_553 = arith.muli %add3A_507, %mul3A_552 : i32
      %add3A_554 = arith.addi %mul3A_2, %mul3A_553 : i32
      %dma_start3A_555 = arith.constant 1 : i32
      %dma_start3A_556 = arith.constant 0 : i32
      %dma_start3A_557 = arith.constant 0 : i32
      %dma_start3A_558 = tpu.memref_slice %arg6[%dma_start3A_555, %dma_start3A_556, %dma_start3A_557] : memref<4x16x1000xf32, #tpu.memory_space<vmem>> -> memref<1x16x1000xf32, #tpu.memory_space<vmem>>
      %dma_start3A_559 = tpu.memref_squeeze %dma_start3A_558 : memref<1x16x1000xf32, #tpu.memory_space<vmem>> -> memref<16x1000xf32, #tpu.memory_space<vmem>>
      %dma_start3A_560 = arith.constant 0 : i32
      %dma_start3A_561 = tpu.memref_slice %arg4[%add3A_554, %dma_start3A_560] : memref<51200x1000xf32, #tpu.memory_space<hbm>> -> memref<16x1000xf32, #tpu.memory_space<hbm>>
      %dma_start3A_562 = arith.constant 0 : i32
      %dma_start3A_563 = tpu.memref_slice %arg4[%add3A_554, %dma_start3A_562] : memref<51200x1000xf32, #tpu.memory_space<hbm>> -> memref<16x1000xf32, #tpu.memory_space<hbm>>
      %dma_start3A_564 = arith.constant 0 : i32
      %dma_start3A_565 = arith.constant 0 : i32
      %dma_start3A_566 = tpu.memref_slice %arg6[%dma_start3A_555, %dma_start3A_564, %dma_start3A_565] : memref<4x16x1000xf32, #tpu.memory_space<vmem>> -> memref<1x16x1000xf32, #tpu.memory_space<vmem>>
      %dma_start3A_567 = tpu.memref_squeeze %dma_start3A_566 : memref<1x16x1000xf32, #tpu.memory_space<vmem>> -> memref<16x1000xf32, #tpu.memory_space<vmem>>
      tpu.enqueue_dma source(%dma_start3A_567 : memref<16x1000xf32, #tpu.memory_space<vmem>>) target(%dma_start3A_563 : memref<16x1000xf32, #tpu.memory_space<hbm>>) target_semaphore(%arg13 : memref<!tpu.dma_semaphore, #tpu.memory_space<semaphore_mem>>)
      %mul3A_568 = arith.constant 4 : i32
      %mul3A_569 = arith.muli %scan3A_440, %mul3A_568 : i32
      %add3A_570 = arith.constant 2 : i32
      %add3A_571 = arith.addi %mul3A_569, %add3A_570 : i32
      %add3A_572 = arith.constant 2 : i32
      %add3A_573 = arith.addi %add3A_571, %add3A_572 : i32
      %sub3A_574 = arith.constant 4 : i32
      %sub3A_575 = arith.subi %add3A_573, %sub3A_574 : i32
      %mul3A_576 = arith.constant 16 : i32
      %mul3A_577 = arith.muli %sub3A_575, %mul3A_576 : i32
      %add3A_578 = arith.addi %mul3A_2, %mul3A_577 : i32
      %dma_wait3A_579 = arith.constant 0 : i32
      %dma_wait3A_580 = arith.constant 0 : i32
      %dma_wait3A_581 = arith.constant 0 : i32
      %dma_wait3A_582 = tpu.memref_slice %arg6[%dma_wait3A_579, %dma_wait3A_580, %dma_wait3A_581] : memref<4x16x1000xf32, #tpu.memory_space<vmem>> -> memref<1x16x1000xf32, #tpu.memory_space<vmem>>
      %dma_wait3A_583 = tpu.memref_squeeze %dma_wait3A_582 : memref<1x16x1000xf32, #tpu.memory_space<vmem>> -> memref<16x1000xf32, #tpu.memory_space<vmem>>
      %dma_wait3A_584 = arith.constant 0 : i32
      %dma_wait3A_585 = tpu.memref_slice %arg4[%add3A_578, %dma_wait3A_584] : memref<51200x1000xf32, #tpu.memory_space<hbm>> -> memref<16x1000xf32, #tpu.memory_space<hbm>>
      %dma_wait3A_586 = arith.constant 0 : i32
      %dma_wait3A_587 = tpu.memref_slice %arg4[%add3A_578, %dma_wait3A_586] : memref<51200x1000xf32, #tpu.memory_space<hbm>> -> memref<16x1000xf32, #tpu.memory_space<hbm>>
      %dma_wait3A_588 = arith.constant 0 : i32
      %dma_wait3A_589 = arith.constant 0 : i32
      %dma_wait3A_590 = tpu.memref_slice %arg6[%dma_wait3A_579, %dma_wait3A_588, %dma_wait3A_589] : memref<4x16x1000xf32, #tpu.memory_space<vmem>> -> memref<1x16x1000xf32, #tpu.memory_space<vmem>>
      %dma_wait3A_591 = tpu.memref_squeeze %dma_wait3A_590 : memref<1x16x1000xf32, #tpu.memory_space<vmem>> -> memref<16x1000xf32, #tpu.memory_space<vmem>>
      tpu.wait_dma2 semaphore(%arg12 : memref<!tpu.dma_semaphore, #tpu.memory_space<semaphore_mem>>) src(%dma_wait3A_591 : memref<16x1000xf32, #tpu.memory_space<vmem>>) dst(%dma_wait3A_587 : memref<16x1000xf32, #tpu.memory_space<hbm>>)
      %add3A_592 = arith.constant 2 : i32
      %add3A_593 = arith.addi %add3A_571, %add3A_592 : i32
      %dma_start3A_594 = arith.constant 0 : i32
      %dma_start3A_595 = arith.constant 0 : i32
      %dma_start3A_596 = arith.constant 0 : i32
      %dma_start3A_597 = tpu.memref_slice %arg6[%dma_start3A_594, %dma_start3A_595, %dma_start3A_596] : memref<4x16x1000xf32, #tpu.memory_space<vmem>> -> memref<1x16x1000xf32, #tpu.memory_space<vmem>>
      %dma_start3A_598 = tpu.memref_squeeze %dma_start3A_597 : memref<1x16x1000xf32, #tpu.memory_space<vmem>> -> memref<16x1000xf32, #tpu.memory_space<vmem>>
      %dma_start3A_599 = arith.constant 0 : i32
      %dma_start3A_600 = tpu.memref_slice %arg5[%add3A_593, %dma_start3A_599] : memref<100x16xi32, #tpu.memory_space<vmem>> -> memref<1x16xi32, #tpu.memory_space<vmem>>
      %dma_start3A_601 = tpu.memref_squeeze %dma_start3A_600 : memref<1x16xi32, #tpu.memory_space<vmem>> -> memref<16xi32, #tpu.memory_space<vmem>>
      %dma_start3A_602 = arith.constant 0 : i32
      %dma_start3A_603 = arith.constant 0 : i32
      %dma_start3A_604 = tpu.memref_slice %arg7[%dma_start3A_602, %dma_start3A_603] : memref<1000x1000xf32, #tpu.memory_space<vmem_shared>> -> memref<1000x1000xf32, #tpu.memory_space<vmem_shared>>
      tpu.enqueue_indirect_dma source(%dma_start3A_604 : memref<1000x1000xf32, #tpu.memory_space<vmem_shared>>) target(%dma_start3A_598 : memref<16x1000xf32, #tpu.memory_space<vmem>>) offsets(%dma_start3A_601 : memref<16xi32, #tpu.memory_space<vmem>>) semaphore(%arg8 : memref<!tpu.dma_semaphore, #tpu.memory_space<semaphore_mem>>)
      %dma_wait3A_605 = arith.constant 2 : i32
      %dma_wait3A_606 = arith.constant 0 : i32
      %dma_wait3A_607 = arith.constant 0 : i32
      %dma_wait3A_608 = tpu.memref_slice %arg6[%dma_wait3A_605, %dma_wait3A_606, %dma_wait3A_607] : memref<4x16x1000xf32, #tpu.memory_space<vmem>> -> memref<1x16x1000xf32, #tpu.memory_space<vmem>>
      %dma_wait3A_609 = tpu.memref_squeeze %dma_wait3A_608 : memref<1x16x1000xf32, #tpu.memory_space<vmem>> -> memref<16x1000xf32, #tpu.memory_space<vmem>>
      %dma_wait3A_610 = arith.constant 0 : i32
      %dma_wait3A_611 = tpu.memref_slice %arg5[%add3A_571, %dma_wait3A_610] : memref<100x16xi32, #tpu.memory_space<vmem>> -> memref<1x16xi32, #tpu.memory_space<vmem>>
      %dma_wait3A_612 = tpu.memref_squeeze %dma_wait3A_611 : memref<1x16xi32, #tpu.memory_space<vmem>> -> memref<16xi32, #tpu.memory_space<vmem>>
      %dma_wait3A_613 = arith.constant 0 : i32
      %dma_wait3A_614 = arith.constant 0 : i32
      %dma_wait3A_615 = tpu.memref_slice %arg7[%dma_wait3A_613, %dma_wait3A_614] : memref<1000x1000xf32, #tpu.memory_space<vmem_shared>> -> memref<1000x1000xf32, #tpu.memory_space<vmem_shared>>
      tpu.wait_indirect_dma semaphore(%arg10 : memref<!tpu.dma_semaphore, #tpu.memory_space<semaphore_mem>>) src(%dma_wait3A_615 : memref<1000x1000xf32, #tpu.memory_space<vmem_shared>>) dst(%dma_wait3A_609 : memref<16x1000xf32, #tpu.memory_space<vmem>>)
      %mul3A_616 = arith.constant 16 : i32
      %mul3A_617 = arith.muli %add3A_571, %mul3A_616 : i32
      %add3A_618 = arith.addi %mul3A_2, %mul3A_617 : i32
      %dma_start3A_619 = arith.constant 2 : i32
      %dma_start3A_620 = arith.constant 0 : i32
      %dma_start3A_621 = arith.constant 0 : i32
      %dma_start3A_622 = tpu.memref_slice %arg6[%dma_start3A_619, %dma_start3A_620, %dma_start3A_621] : memref<4x16x1000xf32, #tpu.memory_space<vmem>> -> memref<1x16x1000xf32, #tpu.memory_space<vmem>>
      %dma_start3A_623 = tpu.memref_squeeze %dma_start3A_622 : memref<1x16x1000xf32, #tpu.memory_space<vmem>> -> memref<16x1000xf32, #tpu.memory_space<vmem>>
      %dma_start3A_624 = arith.constant 0 : i32
      %dma_start3A_625 = tpu.memref_slice %arg4[%add3A_618, %dma_start3A_624] : memref<51200x1000xf32, #tpu.memory_space<hbm>> -> memref<16x1000xf32, #tpu.memory_space<hbm>>
      %dma_start3A_626 = arith.constant 0 : i32
      %dma_start3A_627 = tpu.memref_slice %arg4[%add3A_618, %dma_start3A_626] : memref<51200x1000xf32, #tpu.memory_space<hbm>> -> memref<16x1000xf32, #tpu.memory_space<hbm>>
      %dma_start3A_628 = arith.constant 0 : i32
      %dma_start3A_629 = arith.constant 0 : i32
      %dma_start3A_630 = tpu.memref_slice %arg6[%dma_start3A_619, %dma_start3A_628, %dma_start3A_629] : memref<4x16x1000xf32, #tpu.memory_space<vmem>> -> memref<1x16x1000xf32, #tpu.memory_space<vmem>>
      %dma_start3A_631 = tpu.memref_squeeze %dma_start3A_630 : memref<1x16x1000xf32, #tpu.memory_space<vmem>> -> memref<16x1000xf32, #tpu.memory_space<vmem>>
      tpu.enqueue_dma source(%dma_start3A_631 : memref<16x1000xf32, #tpu.memory_space<vmem>>) target(%dma_start3A_627 : memref<16x1000xf32, #tpu.memory_space<hbm>>) target_semaphore(%arg14 : memref<!tpu.dma_semaphore, #tpu.memory_space<semaphore_mem>>)
      %mul3A_632 = arith.constant 4 : i32
      %mul3A_633 = arith.muli %scan3A_440, %mul3A_632 : i32
      %add3A_634 = arith.constant 3 : i32
      %add3A_635 = arith.addi %mul3A_633, %add3A_634 : i32
      %add3A_636 = arith.constant 2 : i32
      %add3A_637 = arith.addi %add3A_635, %add3A_636 : i32
      %sub3A_638 = arith.constant 4 : i32
      %sub3A_639 = arith.subi %add3A_637, %sub3A_638 : i32
      %mul3A_640 = arith.constant 16 : i32
      %mul3A_641 = arith.muli %sub3A_639, %mul3A_640 : i32
      %add3A_642 = arith.addi %mul3A_2, %mul3A_641 : i32
      %dma_wait3A_643 = arith.constant 1 : i32
      %dma_wait3A_644 = arith.constant 0 : i32
      %dma_wait3A_645 = arith.constant 0 : i32
      %dma_wait3A_646 = tpu.memref_slice %arg6[%dma_wait3A_643, %dma_wait3A_644, %dma_wait3A_645] : memref<4x16x1000xf32, #tpu.memory_space<vmem>> -> memref<1x16x1000xf32, #tpu.memory_space<vmem>>
      %dma_wait3A_647 = tpu.memref_squeeze %dma_wait3A_646 : memref<1x16x1000xf32, #tpu.memory_space<vmem>> -> memref<16x1000xf32, #tpu.memory_space<vmem>>
      %dma_wait3A_648 = arith.constant 0 : i32
      %dma_wait3A_649 = tpu.memref_slice %arg4[%add3A_642, %dma_wait3A_648] : memref<51200x1000xf32, #tpu.memory_space<hbm>> -> memref<16x1000xf32, #tpu.memory_space<hbm>>
      %dma_wait3A_650 = arith.constant 0 : i32
      %dma_wait3A_651 = tpu.memref_slice %arg4[%add3A_642, %dma_wait3A_650] : memref<51200x1000xf32, #tpu.memory_space<hbm>> -> memref<16x1000xf32, #tpu.memory_space<hbm>>
      %dma_wait3A_652 = arith.constant 0 : i32
      %dma_wait3A_653 = arith.constant 0 : i32
      %dma_wait3A_654 = tpu.memref_slice %arg6[%dma_wait3A_643, %dma_wait3A_652, %dma_wait3A_653] : memref<4x16x1000xf32, #tpu.memory_space<vmem>> -> memref<1x16x1000xf32, #tpu.memory_space<vmem>>
      %dma_wait3A_655 = tpu.memref_squeeze %dma_wait3A_654 : memref<1x16x1000xf32, #tpu.memory_space<vmem>> -> memref<16x1000xf32, #tpu.memory_space<vmem>>
      tpu.wait_dma2 semaphore(%arg13 : memref<!tpu.dma_semaphore, #tpu.memory_space<semaphore_mem>>) src(%dma_wait3A_655 : memref<16x1000xf32, #tpu.memory_space<vmem>>) dst(%dma_wait3A_651 : memref<16x1000xf32, #tpu.memory_space<hbm>>)
      %add3A_656 = arith.constant 2 : i32
      %add3A_657 = arith.addi %add3A_635, %add3A_656 : i32
      %dma_start3A_658 = arith.constant 1 : i32
      %dma_start3A_659 = arith.constant 0 : i32
      %dma_start3A_660 = arith.constant 0 : i32
      %dma_start3A_661 = tpu.memref_slice %arg6[%dma_start3A_658, %dma_start3A_659, %dma_start3A_660] : memref<4x16x1000xf32, #tpu.memory_space<vmem>> -> memref<1x16x1000xf32, #tpu.memory_space<vmem>>
      %dma_start3A_662 = tpu.memref_squeeze %dma_start3A_661 : memref<1x16x1000xf32, #tpu.memory_space<vmem>> -> memref<16x1000xf32, #tpu.memory_space<vmem>>
      %dma_start3A_663 = arith.constant 0 : i32
      %dma_start3A_664 = tpu.memref_slice %arg5[%add3A_657, %dma_start3A_663] : memref<100x16xi32, #tpu.memory_space<vmem>> -> memref<1x16xi32, #tpu.memory_space<vmem>>
      %dma_start3A_665 = tpu.memref_squeeze %dma_start3A_664 : memref<1x16xi32, #tpu.memory_space<vmem>> -> memref<16xi32, #tpu.memory_space<vmem>>
      %dma_start3A_666 = arith.constant 0 : i32
      %dma_start3A_667 = arith.constant 0 : i32
      %dma_start3A_668 = tpu.memref_slice %arg7[%dma_start3A_666, %dma_start3A_667] : memref<1000x1000xf32, #tpu.memory_space<vmem_shared>> -> memref<1000x1000xf32, #tpu.memory_space<vmem_shared>>
      tpu.enqueue_indirect_dma source(%dma_start3A_668 : memref<1000x1000xf32, #tpu.memory_space<vmem_shared>>) target(%dma_start3A_662 : memref<16x1000xf32, #tpu.memory_space<vmem>>) offsets(%dma_start3A_665 : memref<16xi32, #tpu.memory_space<vmem>>) semaphore(%arg9 : memref<!tpu.dma_semaphore, #tpu.memory_space<semaphore_mem>>)
      %dma_wait3A_669 = arith.constant 3 : i32
      %dma_wait3A_670 = arith.constant 0 : i32
      %dma_wait3A_671 = arith.constant 0 : i32
      %dma_wait3A_672 = tpu.memref_slice %arg6[%dma_wait3A_669, %dma_wait3A_670, %dma_wait3A_671] : memref<4x16x1000xf32, #tpu.memory_space<vmem>> -> memref<1x16x1000xf32, #tpu.memory_space<vmem>>
      %dma_wait3A_673 = tpu.memref_squeeze %dma_wait3A_672 : memref<1x16x1000xf32, #tpu.memory_space<vmem>> -> memref<16x1000xf32, #tpu.memory_space<vmem>>
      %dma_wait3A_674 = arith.constant 0 : i32
      %dma_wait3A_675 = tpu.memref_slice %arg5[%add3A_635, %dma_wait3A_674] : memref<100x16xi32, #tpu.memory_space<vmem>> -> memref<1x16xi32, #tpu.memory_space<vmem>>
      %dma_wait3A_676 = tpu.memref_squeeze %dma_wait3A_675 : memref<1x16xi32, #tpu.memory_space<vmem>> -> memref<16xi32, #tpu.memory_space<vmem>>
      %dma_wait3A_677 = arith.constant 0 : i32
      %dma_wait3A_678 = arith.constant 0 : i32
      %dma_wait3A_679 = tpu.memref_slice %arg7[%dma_wait3A_677, %dma_wait3A_678] : memref<1000x1000xf32, #tpu.memory_space<vmem_shared>> -> memref<1000x1000xf32, #tpu.memory_space<vmem_shared>>
      tpu.wait_indirect_dma semaphore(%arg11 : memref<!tpu.dma_semaphore, #tpu.memory_space<semaphore_mem>>) src(%dma_wait3A_679 : memref<1000x1000xf32, #tpu.memory_space<vmem_shared>>) dst(%dma_wait3A_673 : memref<16x1000xf32, #tpu.memory_space<vmem>>)
      %mul3A_680 = arith.constant 16 : i32
      %mul3A_681 = arith.muli %add3A_635, %mul3A_680 : i32
      %add3A_682 = arith.addi %mul3A_2, %mul3A_681 : i32
      %dma_start3A_683 = arith.constant 3 : i32
      %dma_start3A_684 = arith.constant 0 : i32
      %dma_start3A_685 = arith.constant 0 : i32
      %dma_start3A_686 = tpu.memref_slice %arg6[%dma_start3A_683, %dma_start3A_684, %dma_start3A_685] : memref<4x16x1000xf32, #tpu.memory_space<vmem>> -> memref<1x16x1000xf32, #tpu.memory_space<vmem>>
      %dma_start3A_687 = tpu.memref_squeeze %dma_start3A_686 : memref<1x16x1000xf32, #tpu.memory_space<vmem>> -> memref<16x1000xf32, #tpu.memory_space<vmem>>
      %dma_start3A_688 = arith.constant 0 : i32
      %dma_start3A_689 = tpu.memref_slice %arg4[%add3A_682, %dma_start3A_688] : memref<51200x1000xf32, #tpu.memory_space<hbm>> -> memref<16x1000xf32, #tpu.memory_space<hbm>>
      %dma_start3A_690 = arith.constant 0 : i32
      %dma_start3A_691 = tpu.memref_slice %arg4[%add3A_682, %dma_start3A_690] : memref<51200x1000xf32, #tpu.memory_space<hbm>> -> memref<16x1000xf32, #tpu.memory_space<hbm>>
      %dma_start3A_692 = arith.constant 0 : i32
      %dma_start3A_693 = arith.constant 0 : i32
      %dma_start3A_694 = tpu.memref_slice %arg6[%dma_start3A_683, %dma_start3A_692, %dma_start3A_693] : memref<4x16x1000xf32, #tpu.memory_space<vmem>> -> memref<1x16x1000xf32, #tpu.memory_space<vmem>>
      %dma_start3A_695 = tpu.memref_squeeze %dma_start3A_694 : memref<1x16x1000xf32, #tpu.memory_space<vmem>> -> memref<16x1000xf32, #tpu.memory_space<vmem>>
      tpu.enqueue_dma source(%dma_start3A_695 : memref<16x1000xf32, #tpu.memory_space<vmem>>) target(%dma_start3A_691 : memref<16x1000xf32, #tpu.memory_space<hbm>>) target_semaphore(%arg15 : memref<!tpu.dma_semaphore, #tpu.memory_space<semaphore_mem>>)
    }
    %scan3A_217 = arith.constant 23 : i32
    %add3A_218 = arith.constant 1504 : i32
    %add3A_219 = arith.addi %mul3A_2, %add3A_218 : i32
    %dma_wait3A_220 = arith.constant 2 : i32
    %dma_wait3A_221 = arith.constant 0 : i32
    %dma_wait3A_222 = arith.constant 0 : i32
    %dma_wait3A_223 = tpu.memref_slice %arg6[%dma_wait3A_220, %dma_wait3A_221, %dma_wait3A_222] : memref<4x16x1000xf32, #tpu.memory_space<vmem>> -> memref<1x16x1000xf32, #tpu.memory_space<vmem>>
    %dma_wait3A_224 = tpu.memref_squeeze %dma_wait3A_223 : memref<1x16x1000xf32, #tpu.memory_space<vmem>> -> memref<16x1000xf32, #tpu.memory_space<vmem>>
    %dma_wait3A_225 = arith.constant 0 : i32
    %dma_wait3A_226 = tpu.memref_slice %arg4[%add3A_219, %dma_wait3A_225] : memref<51200x1000xf32, #tpu.memory_space<hbm>> -> memref<16x1000xf32, #tpu.memory_space<hbm>>
    %dma_wait3A_227 = arith.constant 0 : i32
    %dma_wait3A_228 = tpu.memref_slice %arg4[%add3A_219, %dma_wait3A_227] : memref<51200x1000xf32, #tpu.memory_space<hbm>> -> memref<16x1000xf32, #tpu.memory_space<hbm>>
    %dma_wait3A_229 = arith.constant 0 : i32
    %dma_wait3A_230 = arith.constant 0 : i32
    %dma_wait3A_231 = tpu.memref_slice %arg6[%dma_wait3A_220, %dma_wait3A_229, %dma_wait3A_230] : memref<4x16x1000xf32, #tpu.memory_space<vmem>> -> memref<1x16x1000xf32, #tpu.memory_space<vmem>>
    %dma_wait3A_232 = tpu.memref_squeeze %dma_wait3A_231 : memref<1x16x1000xf32, #tpu.memory_space<vmem>> -> memref<16x1000xf32, #tpu.memory_space<vmem>>
    tpu.wait_dma2 semaphore(%arg14 : memref<!tpu.dma_semaphore, #tpu.memory_space<semaphore_mem>>) src(%dma_wait3A_232 : memref<16x1000xf32, #tpu.memory_space<vmem>>) dst(%dma_wait3A_228 : memref<16x1000xf32, #tpu.memory_space<hbm>>)
    %dma_start3A_233 = arith.constant 98 : i32
    %dma_start3A_234 = arith.constant 2 : i32
    %dma_start3A_235 = arith.constant 0 : i32
    %dma_start3A_236 = arith.constant 0 : i32
    %dma_start3A_237 = tpu.memref_slice %arg6[%dma_start3A_234, %dma_start3A_235, %dma_start3A_236] : memref<4x16x1000xf32, #tpu.memory_space<vmem>> -> memref<1x16x1000xf32, #tpu.memory_space<vmem>>
    %dma_start3A_238 = tpu.memref_squeeze %dma_start3A_237 : memref<1x16x1000xf32, #tpu.memory_space<vmem>> -> memref<16x1000xf32, #tpu.memory_space<vmem>>
    %dma_start3A_239 = arith.constant 0 : i32
    %dma_start3A_240 = tpu.memref_slice %arg5[%dma_start3A_233, %dma_start3A_239] : memref<100x16xi32, #tpu.memory_space<vmem>> -> memref<1x16xi32, #tpu.memory_space<vmem>>
    %dma_start3A_241 = tpu.memref_squeeze %dma_start3A_240 : memref<1x16xi32, #tpu.memory_space<vmem>> -> memref<16xi32, #tpu.memory_space<vmem>>
    %dma_start3A_242 = arith.constant 0 : i32
    %dma_start3A_243 = arith.constant 0 : i32
    %dma_start3A_244 = tpu.memref_slice %arg7[%dma_start3A_242, %dma_start3A_243] : memref<1000x1000xf32, #tpu.memory_space<vmem_shared>> -> memref<1000x1000xf32, #tpu.memory_space<vmem_shared>>
    tpu.enqueue_indirect_dma source(%dma_start3A_244 : memref<1000x1000xf32, #tpu.memory_space<vmem_shared>>) target(%dma_start3A_238 : memref<16x1000xf32, #tpu.memory_space<vmem>>) offsets(%dma_start3A_241 : memref<16xi32, #tpu.memory_space<vmem>>) semaphore(%arg10 : memref<!tpu.dma_semaphore, #tpu.memory_space<semaphore_mem>>)
    %dma_wait3A_245 = arith.constant 96 : i32
    %dma_wait3A_246 = arith.constant 0 : i32
    %dma_wait3A_247 = arith.constant 0 : i32
    %dma_wait3A_248 = arith.constant 0 : i32
    %dma_wait3A_249 = tpu.memref_slice %arg6[%dma_wait3A_246, %dma_wait3A_247, %dma_wait3A_248] : memref<4x16x1000xf32, #tpu.memory_space<vmem>> -> memref<1x16x1000xf32, #tpu.memory_space<vmem>>
    %dma_wait3A_250 = tpu.memref_squeeze %dma_wait3A_249 : memref<1x16x1000xf32, #tpu.memory_space<vmem>> -> memref<16x1000xf32, #tpu.memory_space<vmem>>
    %dma_wait3A_251 = arith.constant 0 : i32
    %dma_wait3A_252 = tpu.memref_slice %arg5[%dma_wait3A_245, %dma_wait3A_251] : memref<100x16xi32, #tpu.memory_space<vmem>> -> memref<1x16xi32, #tpu.memory_space<vmem>>
    %dma_wait3A_253 = tpu.memref_squeeze %dma_wait3A_252 : memref<1x16xi32, #tpu.memory_space<vmem>> -> memref<16xi32, #tpu.memory_space<vmem>>
    %dma_wait3A_254 = arith.constant 0 : i32
    %dma_wait3A_255 = arith.constant 0 : i32
    %dma_wait3A_256 = tpu.memref_slice %arg7[%dma_wait3A_254, %dma_wait3A_255] : memref<1000x1000xf32, #tpu.memory_space<vmem_shared>> -> memref<1000x1000xf32, #tpu.memory_space<vmem_shared>>
    tpu.wait_indirect_dma semaphore(%arg8 : memref<!tpu.dma_semaphore, #tpu.memory_space<semaphore_mem>>) src(%dma_wait3A_256 : memref<1000x1000xf32, #tpu.memory_space<vmem_shared>>) dst(%dma_wait3A_250 : memref<16x1000xf32, #tpu.memory_space<vmem>>)
    %add3A_257 = arith.constant 1536 : i32
    %add3A_258 = arith.addi %mul3A_2, %add3A_257 : i32
    %dma_start3A_259 = arith.constant 0 : i32
    %dma_start3A_260 = arith.constant 0 : i32
    %dma_start3A_261 = arith.constant 0 : i32
    %dma_start3A_262 = tpu.memref_slice %arg6[%dma_start3A_259, %dma_start3A_260, %dma_start3A_261] : memref<4x16x1000xf32, #tpu.memory_space<vmem>> -> memref<1x16x1000xf32, #tpu.memory_space<vmem>>
    %dma_start3A_263 = tpu.memref_squeeze %dma_start3A_262 : memref<1x16x1000xf32, #tpu.memory_space<vmem>> -> memref<16x1000xf32, #tpu.memory_space<vmem>>
    %dma_start3A_264 = arith.constant 0 : i32
    %dma_start3A_265 = tpu.memref_slice %arg4[%add3A_258, %dma_start3A_264] : memref<51200x1000xf32, #tpu.memory_space<hbm>> -> memref<16x1000xf32, #tpu.memory_space<hbm>>
    %dma_start3A_266 = arith.constant 0 : i32
    %dma_start3A_267 = tpu.memref_slice %arg4[%add3A_258, %dma_start3A_266] : memref<51200x1000xf32, #tpu.memory_space<hbm>> -> memref<16x1000xf32, #tpu.memory_space<hbm>>
    %dma_start3A_268 = arith.constant 0 : i32
    %dma_start3A_269 = arith.constant 0 : i32
    %dma_start3A_270 = tpu.memref_slice %arg6[%dma_start3A_259, %dma_start3A_268, %dma_start3A_269] : memref<4x16x1000xf32, #tpu.memory_space<vmem>> -> memref<1x16x1000xf32, #tpu.memory_space<vmem>>
    %dma_start3A_271 = tpu.memref_squeeze %dma_start3A_270 : memref<1x16x1000xf32, #tpu.memory_space<vmem>> -> memref<16x1000xf32, #tpu.memory_space<vmem>>
    tpu.enqueue_dma source(%dma_start3A_271 : memref<16x1000xf32, #tpu.memory_space<vmem>>) target(%dma_start3A_267 : memref<16x1000xf32, #tpu.memory_space<hbm>>) target_semaphore(%arg12 : memref<!tpu.dma_semaphore, #tpu.memory_space<semaphore_mem>>)
    %add3A_272 = arith.constant 1520 : i32
    %add3A_273 = arith.addi %mul3A_2, %add3A_272 : i32
    %dma_wait3A_274 = arith.constant 3 : i32
    %dma_wait3A_275 = arith.constant 0 : i32
    %dma_wait3A_276 = arith.constant 0 : i32
    %dma_wait3A_277 = tpu.memref_slice %arg6[%dma_wait3A_274, %dma_wait3A_275, %dma_wait3A_276] : memref<4x16x1000xf32, #tpu.memory_space<vmem>> -> memref<1x16x1000xf32, #tpu.memory_space<vmem>>
    %dma_wait3A_278 = tpu.memref_squeeze %dma_wait3A_277 : memref<1x16x1000xf32, #tpu.memory_space<vmem>> -> memref<16x1000xf32, #tpu.memory_space<vmem>>
    %dma_wait3A_279 = arith.constant 0 : i32
    %dma_wait3A_280 = tpu.memref_slice %arg4[%add3A_273, %dma_wait3A_279] : memref<51200x1000xf32, #tpu.memory_space<hbm>> -> memref<16x1000xf32, #tpu.memory_space<hbm>>
    %dma_wait3A_281 = arith.constant 0 : i32
    %dma_wait3A_282 = tpu.memref_slice %arg4[%add3A_273, %dma_wait3A_281] : memref<51200x1000xf32, #tpu.memory_space<hbm>> -> memref<16x1000xf32, #tpu.memory_space<hbm>>
    %dma_wait3A_283 = arith.constant 0 : i32
    %dma_wait3A_284 = arith.constant 0 : i32
    %dma_wait3A_285 = tpu.memref_slice %arg6[%dma_wait3A_274, %dma_wait3A_283, %dma_wait3A_284] : memref<4x16x1000xf32, #tpu.memory_space<vmem>> -> memref<1x16x1000xf32, #tpu.memory_space<vmem>>
    %dma_wait3A_286 = tpu.memref_squeeze %dma_wait3A_285 : memref<1x16x1000xf32, #tpu.memory_space<vmem>> -> memref<16x1000xf32, #tpu.memory_space<vmem>>
    tpu.wait_dma2 semaphore(%arg15 : memref<!tpu.dma_semaphore, #tpu.memory_space<semaphore_mem>>) src(%dma_wait3A_286 : memref<16x1000xf32, #tpu.memory_space<vmem>>) dst(%dma_wait3A_282 : memref<16x1000xf32, #tpu.memory_space<hbm>>)
    %dma_start3A_287 = arith.constant 99 : i32
    %dma_start3A_288 = arith.constant 3 : i32
    %dma_start3A_289 = arith.constant 0 : i32
    %dma_start3A_290 = arith.constant 0 : i32
    %dma_start3A_291 = tpu.memref_slice %arg6[%dma_start3A_288, %dma_start3A_289, %dma_start3A_290] : memref<4x16x1000xf32, #tpu.memory_space<vmem>> -> memref<1x16x1000xf32, #tpu.memory_space<vmem>>
    %dma_start3A_292 = tpu.memref_squeeze %dma_start3A_291 : memref<1x16x1000xf32, #tpu.memory_space<vmem>> -> memref<16x1000xf32, #tpu.memory_space<vmem>>
    %dma_start3A_293 = arith.constant 0 : i32
    %dma_start3A_294 = tpu.memref_slice %arg5[%dma_start3A_287, %dma_start3A_293] : memref<100x16xi32, #tpu.memory_space<vmem>> -> memref<1x16xi32, #tpu.memory_space<vmem>>
    %dma_start3A_295 = tpu.memref_squeeze %dma_start3A_294 : memref<1x16xi32, #tpu.memory_space<vmem>> -> memref<16xi32, #tpu.memory_space<vmem>>
    %dma_start3A_296 = arith.constant 0 : i32
    %dma_start3A_297 = arith.constant 0 : i32
    %dma_start3A_298 = tpu.memref_slice %arg7[%dma_start3A_296, %dma_start3A_297] : memref<1000x1000xf32, #tpu.memory_space<vmem_shared>> -> memref<1000x1000xf32, #tpu.memory_space<vmem_shared>>
    tpu.enqueue_indirect_dma source(%dma_start3A_298 : memref<1000x1000xf32, #tpu.memory_space<vmem_shared>>) target(%dma_start3A_292 : memref<16x1000xf32, #tpu.memory_space<vmem>>) offsets(%dma_start3A_295 : memref<16xi32, #tpu.memory_space<vmem>>) semaphore(%arg11 : memref<!tpu.dma_semaphore, #tpu.memory_space<semaphore_mem>>)
    %dma_wait3A_299 = arith.constant 97 : i32
    %dma_wait3A_300 = arith.constant 1 : i32
    %dma_wait3A_301 = arith.constant 0 : i32
    %dma_wait3A_302 = arith.constant 0 : i32
    %dma_wait3A_303 = tpu.memref_slice %arg6[%dma_wait3A_300, %dma_wait3A_301, %dma_wait3A_302] : memref<4x16x1000xf32, #tpu.memory_space<vmem>> -> memref<1x16x1000xf32, #tpu.memory_space<vmem>>
    %dma_wait3A_304 = tpu.memref_squeeze %dma_wait3A_303 : memref<1x16x1000xf32, #tpu.memory_space<vmem>> -> memref<16x1000xf32, #tpu.memory_space<vmem>>
    %dma_wait3A_305 = arith.constant 0 : i32
    %dma_wait3A_306 = tpu.memref_slice %arg5[%dma_wait3A_299, %dma_wait3A_305] : memref<100x16xi32, #tpu.memory_space<vmem>> -> memref<1x16xi32, #tpu.memory_space<vmem>>
    %dma_wait3A_307 = tpu.memref_squeeze %dma_wait3A_306 : memref<1x16xi32, #tpu.memory_space<vmem>> -> memref<16xi32, #tpu.memory_space<vmem>>
    %dma_wait3A_308 = arith.constant 0 : i32
    %dma_wait3A_309 = arith.constant 0 : i32
    %dma_wait3A_310 = tpu.memref_slice %arg7[%dma_wait3A_308, %dma_wait3A_309] : memref<1000x1000xf32, #tpu.memory_space<vmem_shared>> -> memref<1000x1000xf32, #tpu.memory_space<vmem_shared>>
    tpu.wait_indirect_dma semaphore(%arg9 : memref<!tpu.dma_semaphore, #tpu.memory_space<semaphore_mem>>) src(%dma_wait3A_310 : memref<1000x1000xf32, #tpu.memory_space<vmem_shared>>) dst(%dma_wait3A_304 : memref<16x1000xf32, #tpu.memory_space<vmem>>)
    %add3A_311 = arith.constant 1552 : i32
    %add3A_312 = arith.addi %mul3A_2, %add3A_311 : i32
    %dma_start3A_313 = arith.constant 1 : i32
    %dma_start3A_314 = arith.constant 0 : i32
    %dma_start3A_315 = arith.constant 0 : i32
    %dma_start3A_316 = tpu.memref_slice %arg6[%dma_start3A_313, %dma_start3A_314, %dma_start3A_315] : memref<4x16x1000xf32, #tpu.memory_space<vmem>> -> memref<1x16x1000xf32, #tpu.memory_space<vmem>>
    %dma_start3A_317 = tpu.memref_squeeze %dma_start3A_316 : memref<1x16x1000xf32, #tpu.memory_space<vmem>> -> memref<16x1000xf32, #tpu.memory_space<vmem>>
    %dma_start3A_318 = arith.constant 0 : i32
    %dma_start3A_319 = tpu.memref_slice %arg4[%add3A_312, %dma_start3A_318] : memref<51200x1000xf32, #tpu.memory_space<hbm>> -> memref<16x1000xf32, #tpu.memory_space<hbm>>
    %dma_start3A_320 = arith.constant 0 : i32
    %dma_start3A_321 = tpu.memref_slice %arg4[%add3A_312, %dma_start3A_320] : memref<51200x1000xf32, #tpu.memory_space<hbm>> -> memref<16x1000xf32, #tpu.memory_space<hbm>>
    %dma_start3A_322 = arith.constant 0 : i32
    %dma_start3A_323 = arith.constant 0 : i32
    %dma_start3A_324 = tpu.memref_slice %arg6[%dma_start3A_313, %dma_start3A_322, %dma_start3A_323] : memref<4x16x1000xf32, #tpu.memory_space<vmem>> -> memref<1x16x1000xf32, #tpu.memory_space<vmem>>
    %dma_start3A_325 = tpu.memref_squeeze %dma_start3A_324 : memref<1x16x1000xf32, #tpu.memory_space<vmem>> -> memref<16x1000xf32, #tpu.memory_space<vmem>>
    tpu.enqueue_dma source(%dma_start3A_325 : memref<16x1000xf32, #tpu.memory_space<vmem>>) target(%dma_start3A_321 : memref<16x1000xf32, #tpu.memory_space<hbm>>) target_semaphore(%arg13 : memref<!tpu.dma_semaphore, #tpu.memory_space<semaphore_mem>>)
    %add3A_326 = arith.constant 1536 : i32
    %add3A_327 = arith.addi %mul3A_2, %add3A_326 : i32
    %dma_wait3A_328 = arith.constant 0 : i32
    %dma_wait3A_329 = arith.constant 0 : i32
    %dma_wait3A_330 = arith.constant 0 : i32
    %dma_wait3A_331 = tpu.memref_slice %arg6[%dma_wait3A_328, %dma_wait3A_329, %dma_wait3A_330] : memref<4x16x1000xf32, #tpu.memory_space<vmem>> -> memref<1x16x1000xf32, #tpu.memory_space<vmem>>
    %dma_wait3A_332 = tpu.memref_squeeze %dma_wait3A_331 : memref<1x16x1000xf32, #tpu.memory_space<vmem>> -> memref<16x1000xf32, #tpu.memory_space<vmem>>
    %dma_wait3A_333 = arith.constant 0 : i32
    %dma_wait3A_334 = tpu.memref_slice %arg4[%add3A_327, %dma_wait3A_333] : memref<51200x1000xf32, #tpu.memory_space<hbm>> -> memref<16x1000xf32, #tpu.memory_space<hbm>>
    %dma_wait3A_335 = arith.constant 0 : i32
    %dma_wait3A_336 = tpu.memref_slice %arg4[%add3A_327, %dma_wait3A_335] : memref<51200x1000xf32, #tpu.memory_space<hbm>> -> memref<16x1000xf32, #tpu.memory_space<hbm>>
    %dma_wait3A_337 = arith.constant 0 : i32
    %dma_wait3A_338 = arith.constant 0 : i32
    %dma_wait3A_339 = tpu.memref_slice %arg6[%dma_wait3A_328, %dma_wait3A_337, %dma_wait3A_338] : memref<4x16x1000xf32, #tpu.memory_space<vmem>> -> memref<1x16x1000xf32, #tpu.memory_space<vmem>>
    %dma_wait3A_340 = tpu.memref_squeeze %dma_wait3A_339 : memref<1x16x1000xf32, #tpu.memory_space<vmem>> -> memref<16x1000xf32, #tpu.memory_space<vmem>>
    tpu.wait_dma2 semaphore(%arg12 : memref<!tpu.dma_semaphore, #tpu.memory_space<semaphore_mem>>) src(%dma_wait3A_340 : memref<16x1000xf32, #tpu.memory_space<vmem>>) dst(%dma_wait3A_336 : memref<16x1000xf32, #tpu.memory_space<hbm>>)
    %dma_wait3A_341 = arith.constant 98 : i32
    %dma_wait3A_342 = arith.constant 2 : i32
    %dma_wait3A_343 = arith.constant 0 : i32
    %dma_wait3A_344 = arith.constant 0 : i32
    %dma_wait3A_345 = tpu.memref_slice %arg6[%dma_wait3A_342, %dma_wait3A_343, %dma_wait3A_344] : memref<4x16x1000xf32, #tpu.memory_space<vmem>> -> memref<1x16x1000xf32, #tpu.memory_space<vmem>>
    %dma_wait3A_346 = tpu.memref_squeeze %dma_wait3A_345 : memref<1x16x1000xf32, #tpu.memory_space<vmem>> -> memref<16x1000xf32, #tpu.memory_space<vmem>>
    %dma_wait3A_347 = arith.constant 0 : i32
    %dma_wait3A_348 = tpu.memref_slice %arg5[%dma_wait3A_341, %dma_wait3A_347] : memref<100x16xi32, #tpu.memory_space<vmem>> -> memref<1x16xi32, #tpu.memory_space<vmem>>
    %dma_wait3A_349 = tpu.memref_squeeze %dma_wait3A_348 : memref<1x16xi32, #tpu.memory_space<vmem>> -> memref<16xi32, #tpu.memory_space<vmem>>
    %dma_wait3A_350 = arith.constant 0 : i32
    %dma_wait3A_351 = arith.constant 0 : i32
    %dma_wait3A_352 = tpu.memref_slice %arg7[%dma_wait3A_350, %dma_wait3A_351] : memref<1000x1000xf32, #tpu.memory_space<vmem_shared>> -> memref<1000x1000xf32, #tpu.memory_space<vmem_shared>>
    tpu.wait_indirect_dma semaphore(%arg10 : memref<!tpu.dma_semaphore, #tpu.memory_space<semaphore_mem>>) src(%dma_wait3A_352 : memref<1000x1000xf32, #tpu.memory_space<vmem_shared>>) dst(%dma_wait3A_346 : memref<16x1000xf32, #tpu.memory_space<vmem>>)
    %add3A_353 = arith.constant 1568 : i32
    %add3A_354 = arith.addi %mul3A_2, %add3A_353 : i32
    %dma_start3A_355 = arith.constant 2 : i32
    %dma_start3A_356 = arith.constant 0 : i32
    %dma_start3A_357 = arith.constant 0 : i32
    %dma_start3A_358 = tpu.memref_slice %arg6[%dma_start3A_355, %dma_start3A_356, %dma_start3A_357] : memref<4x16x1000xf32, #tpu.memory_space<vmem>> -> memref<1x16x1000xf32, #tpu.memory_space<vmem>>
    %dma_start3A_359 = tpu.memref_squeeze %dma_start3A_358 : memref<1x16x1000xf32, #tpu.memory_space<vmem>> -> memref<16x1000xf32, #tpu.memory_space<vmem>>
    %dma_start3A_360 = arith.constant 0 : i32
    %dma_start3A_361 = tpu.memref_slice %arg4[%add3A_354, %dma_start3A_360] : memref<51200x1000xf32, #tpu.memory_space<hbm>> -> memref<16x1000xf32, #tpu.memory_space<hbm>>
    %dma_start3A_362 = arith.constant 0 : i32
    %dma_start3A_363 = tpu.memref_slice %arg4[%add3A_354, %dma_start3A_362] : memref<51200x1000xf32, #tpu.memory_space<hbm>> -> memref<16x1000xf32, #tpu.memory_space<hbm>>
    %dma_start3A_364 = arith.constant 0 : i32
    %dma_start3A_365 = arith.constant 0 : i32
    %dma_start3A_366 = tpu.memref_slice %arg6[%dma_start3A_355, %dma_start3A_364, %dma_start3A_365] : memref<4x16x1000xf32, #tpu.memory_space<vmem>> -> memref<1x16x1000xf32, #tpu.memory_space<vmem>>
    %dma_start3A_367 = tpu.memref_squeeze %dma_start3A_366 : memref<1x16x1000xf32, #tpu.memory_space<vmem>> -> memref<16x1000xf32, #tpu.memory_space<vmem>>
    tpu.enqueue_dma source(%dma_start3A_367 : memref<16x1000xf32, #tpu.memory_space<vmem>>) target(%dma_start3A_363 : memref<16x1000xf32, #tpu.memory_space<hbm>>) target_semaphore(%arg14 : memref<!tpu.dma_semaphore, #tpu.memory_space<semaphore_mem>>)
    %add3A_368 = arith.constant 1552 : i32
    %add3A_369 = arith.addi %mul3A_2, %add3A_368 : i32
    %dma_wait3A_370 = arith.constant 1 : i32
    %dma_wait3A_371 = arith.constant 0 : i32
    %dma_wait3A_372 = arith.constant 0 : i32
    %dma_wait3A_373 = tpu.memref_slice %arg6[%dma_wait3A_370, %dma_wait3A_371, %dma_wait3A_372] : memref<4x16x1000xf32, #tpu.memory_space<vmem>> -> memref<1x16x1000xf32, #tpu.memory_space<vmem>>
    %dma_wait3A_374 = tpu.memref_squeeze %dma_wait3A_373 : memref<1x16x1000xf32, #tpu.memory_space<vmem>> -> memref<16x1000xf32, #tpu.memory_space<vmem>>
    %dma_wait3A_375 = arith.constant 0 : i32
    %dma_wait3A_376 = tpu.memref_slice %arg4[%add3A_369, %dma_wait3A_375] : memref<51200x1000xf32, #tpu.memory_space<hbm>> -> memref<16x1000xf32, #tpu.memory_space<hbm>>
    %dma_wait3A_377 = arith.constant 0 : i32
    %dma_wait3A_378 = tpu.memref_slice %arg4[%add3A_369, %dma_wait3A_377] : memref<51200x1000xf32, #tpu.memory_space<hbm>> -> memref<16x1000xf32, #tpu.memory_space<hbm>>
    %dma_wait3A_379 = arith.constant 0 : i32
    %dma_wait3A_380 = arith.constant 0 : i32
    %dma_wait3A_381 = tpu.memref_slice %arg6[%dma_wait3A_370, %dma_wait3A_379, %dma_wait3A_380] : memref<4x16x1000xf32, #tpu.memory_space<vmem>> -> memref<1x16x1000xf32, #tpu.memory_space<vmem>>
    %dma_wait3A_382 = tpu.memref_squeeze %dma_wait3A_381 : memref<1x16x1000xf32, #tpu.memory_space<vmem>> -> memref<16x1000xf32, #tpu.memory_space<vmem>>
    tpu.wait_dma2 semaphore(%arg13 : memref<!tpu.dma_semaphore, #tpu.memory_space<semaphore_mem>>) src(%dma_wait3A_382 : memref<16x1000xf32, #tpu.memory_space<vmem>>) dst(%dma_wait3A_378 : memref<16x1000xf32, #tpu.memory_space<hbm>>)
    %dma_wait3A_383 = arith.constant 99 : i32
    %dma_wait3A_384 = arith.constant 3 : i32
    %dma_wait3A_385 = arith.constant 0 : i32
    %dma_wait3A_386 = arith.constant 0 : i32
    %dma_wait3A_387 = tpu.memref_slice %arg6[%dma_wait3A_384, %dma_wait3A_385, %dma_wait3A_386] : memref<4x16x1000xf32, #tpu.memory_space<vmem>> -> memref<1x16x1000xf32, #tpu.memory_space<vmem>>
    %dma_wait3A_388 = tpu.memref_squeeze %dma_wait3A_387 : memref<1x16x1000xf32, #tpu.memory_space<vmem>> -> memref<16x1000xf32, #tpu.memory_space<vmem>>
    %dma_wait3A_389 = arith.constant 0 : i32
    %dma_wait3A_390 = tpu.memref_slice %arg5[%dma_wait3A_383, %dma_wait3A_389] : memref<100x16xi32, #tpu.memory_space<vmem>> -> memref<1x16xi32, #tpu.memory_space<vmem>>
    %dma_wait3A_391 = tpu.memref_squeeze %dma_wait3A_390 : memref<1x16xi32, #tpu.memory_space<vmem>> -> memref<16xi32, #tpu.memory_space<vmem>>
    %dma_wait3A_392 = arith.constant 0 : i32
    %dma_wait3A_393 = arith.constant 0 : i32
    %dma_wait3A_394 = tpu.memref_slice %arg7[%dma_wait3A_392, %dma_wait3A_393] : memref<1000x1000xf32, #tpu.memory_space<vmem_shared>> -> memref<1000x1000xf32, #tpu.memory_space<vmem_shared>>
    tpu.wait_indirect_dma semaphore(%arg11 : memref<!tpu.dma_semaphore, #tpu.memory_space<semaphore_mem>>) src(%dma_wait3A_394 : memref<1000x1000xf32, #tpu.memory_space<vmem_shared>>) dst(%dma_wait3A_388 : memref<16x1000xf32, #tpu.memory_space<vmem>>)
    %add3A_395 = arith.constant 1584 : i32
    %add3A_396 = arith.addi %mul3A_2, %add3A_395 : i32
    %dma_start3A_397 = arith.constant 3 : i32
    %dma_start3A_398 = arith.constant 0 : i32
    %dma_start3A_399 = arith.constant 0 : i32
    %dma_start3A_400 = tpu.memref_slice %arg6[%dma_start3A_397, %dma_start3A_398, %dma_start3A_399] : memref<4x16x1000xf32, #tpu.memory_space<vmem>> -> memref<1x16x1000xf32, #tpu.memory_space<vmem>>
    %dma_start3A_401 = tpu.memref_squeeze %dma_start3A_400 : memref<1x16x1000xf32, #tpu.memory_space<vmem>> -> memref<16x1000xf32, #tpu.memory_space<vmem>>
    %dma_start3A_402 = arith.constant 0 : i32
    %dma_start3A_403 = tpu.memref_slice %arg4[%add3A_396, %dma_start3A_402] : memref<51200x1000xf32, #tpu.memory_space<hbm>> -> memref<16x1000xf32, #tpu.memory_space<hbm>>
    %dma_start3A_404 = arith.constant 0 : i32
    %dma_start3A_405 = tpu.memref_slice %arg4[%add3A_396, %dma_start3A_404] : memref<51200x1000xf32, #tpu.memory_space<hbm>> -> memref<16x1000xf32, #tpu.memory_space<hbm>>
    %dma_start3A_406 = arith.constant 0 : i32
    %dma_start3A_407 = arith.constant 0 : i32
    %dma_start3A_408 = tpu.memref_slice %arg6[%dma_start3A_397, %dma_start3A_406, %dma_start3A_407] : memref<4x16x1000xf32, #tpu.memory_space<vmem>> -> memref<1x16x1000xf32, #tpu.memory_space<vmem>>
    %dma_start3A_409 = tpu.memref_squeeze %dma_start3A_408 : memref<1x16x1000xf32, #tpu.memory_space<vmem>> -> memref<16x1000xf32, #tpu.memory_space<vmem>>
    tpu.enqueue_dma source(%dma_start3A_409 : memref<16x1000xf32, #tpu.memory_space<vmem>>) target(%dma_start3A_405 : memref<16x1000xf32, #tpu.memory_space<hbm>>) target_semaphore(%arg15 : memref<!tpu.dma_semaphore, #tpu.memory_space<semaphore_mem>>)
    %add3A_410 = arith.constant 1568 : i32
    %add3A_411 = arith.addi %mul3A_2, %add3A_410 : i32
    %dma_wait3A_412 = arith.constant 2 : i32
    %dma_wait3A_413 = arith.constant 0 : i32
    %dma_wait3A_414 = arith.constant 0 : i32
    %dma_wait3A_415 = tpu.memref_slice %arg6[%dma_wait3A_412, %dma_wait3A_413, %dma_wait3A_414] : memref<4x16x1000xf32, #tpu.memory_space<vmem>> -> memref<1x16x1000xf32, #tpu.memory_space<vmem>>
    %dma_wait3A_416 = tpu.memref_squeeze %dma_wait3A_415 : memref<1x16x1000xf32, #tpu.memory_space<vmem>> -> memref<16x1000xf32, #tpu.memory_space<vmem>>
    %dma_wait3A_417 = arith.constant 0 : i32
    %dma_wait3A_418 = tpu.memref_slice %arg4[%add3A_411, %dma_wait3A_417] : memref<51200x1000xf32, #tpu.memory_space<hbm>> -> memref<16x1000xf32, #tpu.memory_space<hbm>>
    %dma_wait3A_419 = arith.constant 0 : i32
    %dma_wait3A_420 = tpu.memref_slice %arg4[%add3A_411, %dma_wait3A_419] : memref<51200x1000xf32, #tpu.memory_space<hbm>> -> memref<16x1000xf32, #tpu.memory_space<hbm>>
    %dma_wait3A_421 = arith.constant 0 : i32
    %dma_wait3A_422 = arith.constant 0 : i32
    %dma_wait3A_423 = tpu.memref_slice %arg6[%dma_wait3A_412, %dma_wait3A_421, %dma_wait3A_422] : memref<4x16x1000xf32, #tpu.memory_space<vmem>> -> memref<1x16x1000xf32, #tpu.memory_space<vmem>>
    %dma_wait3A_424 = tpu.memref_squeeze %dma_wait3A_423 : memref<1x16x1000xf32, #tpu.memory_space<vmem>> -> memref<16x1000xf32, #tpu.memory_space<vmem>>
    tpu.wait_dma2 semaphore(%arg14 : memref<!tpu.dma_semaphore, #tpu.memory_space<semaphore_mem>>) src(%dma_wait3A_424 : memref<16x1000xf32, #tpu.memory_space<vmem>>) dst(%dma_wait3A_420 : memref<16x1000xf32, #tpu.memory_space<hbm>>)
    %add3A_425 = arith.constant 1584 : i32
    %add3A_426 = arith.addi %mul3A_2, %add3A_425 : i32
    %dma_wait3A_427 = arith.constant 3 : i32
    %dma_wait3A_428 = arith.constant 0 : i32
    %dma_wait3A_429 = arith.constant 0 : i32
    %dma_wait3A_430 = tpu.memref_slice %arg6[%dma_wait3A_427, %dma_wait3A_428, %dma_wait3A_429] : memref<4x16x1000xf32, #tpu.memory_space<vmem>> -> memref<1x16x1000xf32, #tpu.memory_space<vmem>>
    %dma_wait3A_431 = tpu.memref_squeeze %dma_wait3A_430 : memref<1x16x1000xf32, #tpu.memory_space<vmem>> -> memref<16x1000xf32, #tpu.memory_space<vmem>>
    %dma_wait3A_432 = arith.constant 0 : i32
    %dma_wait3A_433 = tpu.memref_slice %arg4[%add3A_426, %dma_wait3A_432] : memref<51200x1000xf32, #tpu.memory_space<hbm>> -> memref<16x1000xf32, #tpu.memory_space<hbm>>
    %dma_wait3A_434 = arith.constant 0 : i32
    %dma_wait3A_435 = tpu.memref_slice %arg4[%add3A_426, %dma_wait3A_434] : memref<51200x1000xf32, #tpu.memory_space<hbm>> -> memref<16x1000xf32, #tpu.memory_space<hbm>>
    %dma_wait3A_436 = arith.constant 0 : i32
    %dma_wait3A_437 = arith.constant 0 : i32
    %dma_wait3A_438 = tpu.memref_slice %arg6[%dma_wait3A_427, %dma_wait3A_436, %dma_wait3A_437] : memref<4x16x1000xf32, #tpu.memory_space<vmem>> -> memref<1x16x1000xf32, #tpu.memory_space<vmem>>
    %dma_wait3A_439 = tpu.memref_squeeze %dma_wait3A_438 : memref<1x16x1000xf32, #tpu.memory_space<vmem>> -> memref<16x1000xf32, #tpu.memory_space<vmem>>
    tpu.wait_dma2 semaphore(%arg15 : memref<!tpu.dma_semaphore, #tpu.memory_space<semaphore_mem>>) src(%dma_wait3A_439 : memref<16x1000xf32, #tpu.memory_space<vmem>>) dst(%dma_wait3A_435 : memref<16x1000xf32, #tpu.memory_space<hbm>>)
    return
  }
}

</mosaic_0001>

<sc_bundles>
// kernel: _bigram_logits.3.cloned.1.call-start
scs
__scs_entry_jumppad:
0x0: {  	(pc) =	sbr.rel $0x88, $3  }
0x1: {  	(tag) =	ssettag $0x0;
	lr =	simm.s32 $0x1  }
0x2: {  	[smem:$0x3F9F] =	sst lr;
	_ =	strace $0xD0000000  }
0x3: {  	_ = 	snop  }
0x4: {  	_ = 	snop  }
0x5: {  	_ = 	snop  }
0x6: {  	_ = 	snop  }
0x7: {  	_ = 	snop  }
__scs_overlays_trampoline_lowered:
0x8: {  	[smem:$0x3FAE] =	sst s0  }
0x9: {  	[smem:$0x3FAF] =	sst s1  }
0xa: {  	[smem:$0x3FB0] =	sst s2  }
0xb: {  	[smem:$0x3FB1] =	sst s3  }
0xc: {  	[smem:$0x3FB2] =	sst s4  }
0xd: {  	[smem:$0x3FB3] =	sst s5  }
0xe: {  	[smem:$0x3FB4] =	sst s6  }
0xf: {  	[smem:$0x3FB5] =	sst s7  }
0x10: {  	[smem:$0x3FB6] =	sst s8  }
0x11: {  	[smem:$0x3FB7] =	sst s9;
	s0 =	simm.s32 @!p0 $0x0  }
0x12: {  	s1 =	sld [smem:$0x3F9D];
	s0 =	simm.s32 @p0 $0x1  }
0x13: {  	[smem:$0x3FB8] =	sst s0;
	s0 =	simm.s32 @!p1 $0x0  }
0x14: {  	s2 =	sld [smem:$0x3F9C];
	s0 =	simm.s32 @p1 $0x1  }
0x15: {  	[smem:$0x3FB9] =	sst s0;
	s0 =	simm.s32 @!p2 $0x0  }
0x16: {  	s3 =	sld [smem:$0x3FDB];
	s0 =	simm.s32 @p2 $0x1  }
0x17: {  	s4 =	simm.s32 $0x1BF5;
	[smem:$0x3FBB] =	sst s0  }
0x18: {  	s0 =	sld [smem:$0x3F9E];
	_ =	swait.ge [sflag:s4], $0x0  }
0x19: {  	s7 =	sld [smem:$0x3F9F]  }
0x1a: {  	s8 =	sadd.s32 $0xFFFFE003, lr  }
0x1b: {  	s9 =	sadd.s32 $0xFFFFFEF7, lr;
	s5 =	simm.s32 $0xFFFFFFFF;
	p2 =	slt.u32 s8, $0xFFFFF086  }
0x1c: {  	p1 =	slt.u32 s9, $0xF7A;
	s5 =	simm.s32 @!p2 $0x0  }
0x1d: {  	s5 =	simm.s32 @p1 $0x1;
	p0 =	seq.s32 s7, s2  }
0x1e: {  	s7 =	smul.u32 @!p0 $0xF7A, s2;
	p2 =	seq.s32 @!p0 s5, $0x0  }
0x1f: {  	s9 =	smul.u32 $0xF7A, s1;
	s8 =	simm.s32 @!p0 $0x1BF5;
	p2 =	por !p2, p0  }
0x20: {  	[sflag:s8] =	ssyncset.s32 @!p0 $0xFFFFF086;
	s6 =	sadd.s32 @!p0 s3, s7;
	s7 =	simm.s32 @!p0 $0x108  }
0x21: {  	s3 =	sadd.s32 s3, s9;
	s6 =	sadd.s32 @!p0 $0x88, s6;
	s7 =	simm.s32 @p2 $0x1082  }
0x22: {  	[simem:s7], [sflag:s8] =	dma.local @!p0 [hbm:s6], $0xF7A  }
0x23: {  	s9 =	sor.u32 $0xD0000000, s2;
	s6 =	simm.s32 $0x108;
	_ =	swait.ge @!p0 [sflag:s8], $0x0  }
0x24: {  	s3 =	sadd.s32 $0x88, s3;
	s6 =	simm.s32 @!p1 $0x1082;
	[sflag:s4] =	ssyncset.s32 $0xFFFFF086  }
0x25: {  	[simem:s6], [sflag:s4] =	dma.local [hbm:s3], $0xF7A  }
0x26: {  	[smem:$0x3F9F] =	sst s1;
	(tag) =	ssettag s2;
	_ =	strace s9  }
0x27: {  	s1 =	sld [smem:$0x3FAF]  }
0x28: {  	s2 =	sld [smem:$0x3FB0]  }
0x29: {  	s4 =	sld [smem:$0x3FB2]  }
0x2a: {  	p0 =	seq.s32 s5, $0x0;
	s5 =	sld [smem:$0x3FB3]  }
0x2b: {  	s6 =	sld [smem:$0x3FB4]  }
0x2c: {  	s7 =	sld [smem:$0x3FB5]  }
0x2d: {  	s3 =	simm.s32 $0x108;
	s8 =	sld [smem:$0x3FB6]  }
0x2e: {  	s3 =	simm.s32 @!p0 $0x1082;
	s9 =	sld [smem:$0x3FB7]  }
0x2f: {  	lr =	sadd.s32 s0, s3;
	s0 =	sld [smem:$0x3FAE]  }
0x30: {  	s3 =	sld [smem:$0x3FB1]  }
0x31: {  	[smem:$0x3FBA] =	sst s10  }
0x32: {  	s10 =	sld [smem:$0x3FB8];
	_ =	sdelay $0x3  }
0x33: {  	p0 =	seq.s32 s10, $0x1;
	s10 =	sld [smem:$0x3FBA];
	_ =	sdelay $0x3  }
0x34: {  	[smem:$0x3FBA] =	sst s10  }
0x35: {  	s10 =	sld [smem:$0x3FB9];
	_ =	sdelay $0x3  }
0x36: {  	p1 =	seq.s32 s10, $0x1;
	s10 =	sld [smem:$0x3FBA];
	_ =	sdelay $0x3  }
0x37: {  	[smem:$0x3FBA] =	sst s10  }
0x38: {  	s10 =	sld [smem:$0x3FBB]  }
0x39: {  	_ = 	snop;
	(pc) =	sbr.ind lr, $3  }
0x3a: {  	_ = 	snop  }
0x3b: {  	_ = 	snop  }
0x3c: {  	p2 =	seq.s32 s10, $0x1;
	s10 =	sld [smem:$0x3FBA]  }
0x3d: {  	_ =	shalt  }
0x3e: {  	_ =	shalt  }
0x3f: {  	_ =	shalt  }
0x40: {  	_ =	shalt  }
0x41: {  	_ =	shalt  }
0x42: {  	_ =	shalt  }
0x43: {  	_ =	shalt  }
0x44: {  	_ =	shalt  }
0x45: {  	_ =	shalt  }
0x46: {  	_ =	shalt  }
0x47: {  	_ =	shalt  }
0x48: {  	_ =	shalt  }
0x49: {  	_ =	shalt  }
0x4a: {  	_ =	shalt  }
0x4b: {  	_ =	shalt  }
0x4c: {  	_ =	shalt  }
0x4d: {  	_ =	shalt  }
0x4e: {  	_ =	shalt  }
0x4f: {  	_ =	shalt  }
0x50: {  	_ =	shalt  }
0x51: {  	_ =	shalt  }
0x52: {  	_ =	shalt  }
0x53: {  	_ =	shalt  }
0x54: {  	_ =	shalt  }
0x55: {  	_ =	shalt  }
0x56: {  	_ =	shalt  }
0x57: {  	_ =	shalt  }
0x58: {  	_ =	shalt  }
0x59: {  	_ =	shalt  }
0x5a: {  	_ =	shalt  }
0x5b: {  	_ =	shalt  }
0x5c: {  	_ =	shalt  }
0x5d: {  	_ =	shalt  }
0x5e: {  	_ =	shalt  }
0x5f: {  	_ =	shalt  }
0x60: {  	_ =	shalt  }
0x61: {  	_ =	shalt  }
0x62: {  	_ =	shalt  }
0x63: {  	_ =	shalt  }
0x64: {  	_ =	shalt  }
0x65: {  	_ =	shalt  }
0x66: {  	_ =	shalt  }
0x67: {  	_ =	shalt  }
0x68: {  	_ =	shalt  }
0x69: {  	_ =	shalt  }
0x6a: {  	_ =	shalt  }
0x6b: {  	_ =	shalt  }
0x6c: {  	_ =	shalt  }
0x6d: {  	_ =	shalt  }
0x6e: {  	_ =	shalt  }
0x6f: {  	_ =	shalt  }
0x70: {  	_ =	shalt  }
0x71: {  	_ =	shalt  }
0x72: {  	_ =	shalt  }
0x73: {  	_ =	shalt  }
0x74: {  	_ =	shalt  }
0x75: {  	_ =	shalt  }
0x76: {  	_ =	shalt  }
0x77: {  	_ =	shalt  }
0x78: {  	_ =	shalt  }
0x79: {  	_ =	shalt  }
0x7a: {  	_ =	shalt  }
0x7b: {  	_ =	shalt  }
0x7c: {  	_ =	shalt  }
0x7d: {  	_ =	shalt  }
0x7e: {  	_ =	shalt  }
0x7f: {  	_ =	shalt  }
0x80: {  	_ =	shalt  }
0x81: {  	_ =	shalt  }
0x82: {  	_ =	shalt  }
0x83: {  	_ =	shalt  }
0x84: {  	_ =	shalt  }
0x85: {  	_ =	shalt  }
0x86: {  	_ =	shalt  }
0x87: {  	_ =	shalt  }
.Lfunc_end0:
.L_simem_size_0:
called_computation.1_lowered:
.L_overlay_start_0:
0x88: {  	s2 =	sld [smem:$0x3FD9]  }
0x89: {  	s3 =	sld [smem:$0x3FFE];
	_ =	sdelay $0x1  }
0x8a: {  	s1 =	srdreg.scid  }
0x8b: {  	s0 =	sand.u32 $0x1, s1  }
0x8c: {  	s17 =	sshll.u32 s0, $0xA;
	s2 =	sadd.s32 s3, s2  }
0x8d: {  	s2 =	sadd.s32 s2, s17  }
0x8e: {  	[smem:$0x3FC6] =	sst s2  }
0x8f: {  	_ = 	snop  }
0x90: {  	s2 =	sld [smem:$0x3FC9]  }
0x91: {  	s18 =	sld [smem:$0x3FD0];
	(tm) =	ssettm $0x1  }
0x92: {  	s4 =	sld [smem:$0x3FFB];
	_ =	sdelay $0x3  }
0x93: {  	_ =	strace s4  }
0x94: {  	s4 =	sld [smem:$0x3FFC];
	_ =	sdelay $0x3  }
0x95: {  	_ =	strace s4  }
0x96: {  	s4 =	sld [smem:$0x3FFD];
	_ =	sdelay $0x3  }
0x97: {  	_ =	strace s4  }
0x98: {  	_ =	strace $0x8FFFFFFF  }
0x99: {  	s19 =	sld [smem:$0x3FDB];
	_ =	sdelay $0x1  }
0x9a: {  	s5 =	simm.s32 $_scs_section_size  }
0x9b: {  	s6 =	simm.s32 $_size__tile_overlayer_lowered;
	s7 =	simm.s32 $_tile_overlayer_lowered  }
0x9c: {  	s22 =	simm.s32 $0x1BFF;
	s21 =	sshll.u32 s7, $0x1;
	s4 =	sadd.s32 s5, s19  }
0x9d: {  	s8 =	simm.s32 $0x0;
	s20 =	sshll.u32 s6, $0x1;
	s6 =	sadd.s32 s21, s4  }
0x9e: {  	[timem:s8], [sflag:s22] =	dma.local [hbm:s6], s20  }
0x9f: {  	_ =	swait.ge [sflag:s22], s20  }
0xa0: {  	s5 =	ssub.s32 $0x0, s20;
	[sflag:s22] =	ssyncset.done $0x0  }
0xa1: {  	[sflag:s22] =	ssyncadd.s32 s5;
	_ =	sdelay $0x1  }
0xa2: {  	s23 =	simm.s32 $0x1B8B  }
0xa3: {  	_ =	swait.ge [sflag:s23], $0x1  }
0xa4: {  	[sflag:s23] =	ssyncset.done $0x0  }
0xa5: {  	s25 =	simm.s32 $0x1B8E;
	s24 =	sld [smem:$0x3FFE];
	[sflag:s23] =	ssyncadd.s32 $0xFFFFFFFF  }
0xa6: {  	s26 =	simm.s32 $execute0_lowered;
	[smem:$0x3FD2] =	sst s25  }
0xa7: {  	s6 =	sshll.u32 s26, $0x1;
	_ =	strace $0x80000046;
	[dreg:$0x1] =	wrdreg $0xFFFFFFFF  }
0xa8: {  	s28 =	simm.s32 $_size_execute0_lowered;
	s4 =	sadd.s32 s4, s6;
	[dreg:$0x0] =	wrdreg $0x0  }
0xa9: {  	s6 =	sshll.u32 s28, $0x1;
	[dreg:$0x2] =	wrdreg s4  }
0xaa: {  	[dreg:$0x3] =	wrdreg s6  }
0xab: {  	[dreg:$0x4] =	wrdreg $0xC0  }
0xac: {  	_ =	task [dreg:s8], $0x5FFFF  }
0xad: {  	[dreg:$0x1] =	wrdreg $0xFFFFFFFF  }
0xae: {  	[dreg:$0x0] =	wrdreg $0x60  }
0xaf: {  	[dreg:$0x2] =	wrdreg s2  }
0xb0: {  	[dreg:$0x3] =	wrdreg s24  }
0xb1: {  	[dreg:$0x4] =	wrdreg s18  }
0xb2: {  	[dreg:$0x5] =	wrdreg $0x100400  }
0xb3: {  	[dreg:$0x6] =	wrdreg $0x9  }
0xb4: {  	_ =	task.clear_ibuf [dreg:s8], $0x7FFFF;
	_ =	strace $0x90000046  }
0xb5: {  	s29 =	simm.s32 $0x9;
	_ =	strace $0x80000048  }
0xb6: {  	_ =	swait.ge [sflag:s29], $0x1  }
0xb7: {  	[sflag:s29] =	ssyncadd.s32 $0xFFFFFFFF  }
0xb8: {  	_ =	strace $0x90000048  }
0xb9: {  	_ =	sfence  }
0xba: {  	s30 =	sld [smem:$0x0];
	_ =	sdelay $0x2  }
0xbb: {  	s31 =	sshll.u32 s1, $0xD;
	s1 =	sshrl.u32 s1, $0x2  }
0xbc: {  	s3 =	sand.u32 $0x4000, s31;
	s1 =	sadd.s32 s1, s30  }
0xbd: {  	s0 =	sor.u32 s3, s0;
	s1 =	sshll.u32 s1, $0x11  }
0xbe: {  	s0 =	sor.u32 s1, s0  }
0xbf: {  	s0 =	sadd.s32 $0x8F2B, s0  }
0xc0: {  	[sflag:s0] =	ssyncadd.remote.s32 $0x1  }
0xc1: {  	_ =	sfence.sel $0xFFFF  }
0xc2: {  	[dreg:$0x0] =	wrdreg $0xFFFFFFFF;
	(pc) =	sbr.abs _section_cstart, $3  }
0xc3: {  	[dreg:$0x1] =	wrdreg $0xFFFFFFFF  }
0xc4: {  	_ =	task.clear_ibuf [dreg:s8], $0x2FFFF;
	_ =	strace $0x9FFFFFFF  }
0xc5: {  	(tm) =	ssettm $0x7FFFFFFF  }
tec
execute0_lowered:
.L_overlay_start_1:
0x0: {  	(tag) =	ssettag $0x1  }
0x1: {  	s0 =	rddreg [dreg:$0x0]  }
0x2: {  	s1 =	rddreg [dreg:$0x1]  }
0x3: {  	s4 =	rddreg [dreg:$0x2]  }
0x4: {  	s2 =	rddreg [dreg:$0x3];
	s16 =	stileid.u32  }
0x5: {  	s5 =	srdreg.scid;
	s3 =	simm.s32 $0x0;
	s19 =	simm.s32 $0x10  }
0x6: {  	s28 =	simm.s32 $0x2;
	s29 =	simm.s32 $0x5;
	s31 =	simm.s32 $0x3  }
0x7: {  	s30 =	simm.s32 $0x8;
	s5 =	sand.u32 $0x1, s5;
	s7 =	smul.u32 $0x1E848, s16  }
0x8: {  	s6 =	sshll.u32 s16, $0x1;
	[smem:$0x7FF] =	sst s3;
	s26 =	smul.u32 $0x61A80, s16  }
0x9: {  	s6 =	sor.u32 s5, s6;
	s8 =	ssub.s32 $0x2, s5;
	s5 =	smul.u32 $0x30D40, s5  }
0xa: {  	p0 =	sgt.u32 s16, $0x7;
	_ =	strace $0x80000047;
	s9 =	smul.u32 $0x640, s6  }
0xb: {  	s10 =	sshrl.u32 s7, $0x3;
	s11 =	sshrl.u32 s8, $0x1;
	s12 =	smul.u32 $0x186A00, s6  }
0xc: {  	s21 =	smul.u32 $0x30D40, s6;
	s15 =	sadd.s32 s7, s2;
	s1 =	sadd.s32 s10, s1  }
0xd: {  	s14 =	ssub.s32 s8, s11;
	s18 =	sshrl.u32 @!p0 s15, $0x3;
	s20 =	sshrl.u32 s9, $0x3  }
0xe: {  	s22 =	sshrl.u32 s12, $0x3;
	s1 =	sadd.s32 $0x800, s1;
	s14 =	smax.u32 s14, $0x1  }
0xf: {  	s0 =	sadd.s32 s0, s20;
	[dreg:$0x6] =	wrdreg s1;
	s23 =	sadd.s32 s4, s22  }
0x10: {  	s1 =	sshll.u32 @!p0 s16, $0x6;
	s16 =	simm.s32 $0x9;
	s20 =	simm.s32 $0x640  }
0x11: {  	s22 =	simm.s32 $0x4;
	[dreg:$0x5] =	wrdreg s0;
	s0 =	sadd.s32 s4, s21  }
0x12: {  	s24 =	sadd.s32 $0x7D0, s23;
	s25 =	sadd.s32 $0xFA0, s23;
	s9 =	sadd.s32 $0x1770, s23  }
0x13: {  	s10 =	sadd.s32 $0x2EE00, s23;
	s11 =	sadd.s32 $0x2F5D0, s23;
	s12 =	sadd.s32 $0x2FDA0, s23  }
0x14: {  	s13 =	sadd.s32 $0x30570, s23;
	s17 =	sor.u32 @!p0 $0x1C09, s1;
	[dreg:$0x7] =	wrdreg s0  }
0x15: {  	s21 =	simm.s32 $0x44C0;
	s23 =	simm.s32 $0x8340;
	[dreg:$0x8] =	wrdreg s24  }
0x16: {  	s1 =	simm.s32 $0x0;
	[dreg:$0x9] =	wrdreg s25;
	s0 =	sadd.s32 s26, s4  }
0x17: {  	s24 =	simm.s32 $0x1;
	s26 =	simm.s32 $0xC1C0;
	s0 =	sadd.s32 s5, s0  }
0x18: {  	s25 =	simm.s32 $0x7;
	s6 =	sadd.s32 $0x36B0, s0;
	s0 =	simm.s32 $0x6  }
.LBB2_1:
0x19: {  	s4 =	rddreg [dreg:$0x5]  }
0x1a: {  	[tilespmem:s3], [sflag:$0x9] =	stream.linear.gather [hbm4b:s4+s3], $0x640, $0x38;
	[tilespmem:$0x1F468] =	vst v63  }
0x1b: {  	_ =	swait.ge [sflag:s16], $0x640  }
0x1c: {  	[sflag:s16] =	ssyncset.done $0x0  }
0x1d: {  	s4 =	rddreg [dreg:$0x6];
	[sflag:s16] =	ssyncadd.s32 $0xFFFFF9C0  }
0x1e: {  	[spmem:s18], [sflag:s17] =	dma.local @!p0 [hbm:s4], $0x3D09  }
0x1f: {  	s4 =	simm.s32 @!p0 $0x9  }
0x20: {  	_ =	swait.ge @!p0 [sflag:s4], $0x3D09  }
0x21: {  	[sflag:s4] =	ssyncset.done @!p0 $0x0  }
0x22: {  	[sflag:s4] =	ssyncadd.s32 @!p0 $0xFFFFC2F7  }
0x23: {  	[bflag:$0x0] =	sbarrier.arrive $0xFFFF  }
0x24: {  	[tilespmem:s20], [sflag:$0x1] =	stream.indirect.gather [spmem:s2], $0x3E8, s3, s19, $0xb8;
	[tilespmem:$0x1F468] =	vst v63  }
0x25: {  	_ = 	snop  }
0x26: {  	[tilespmem:s21], [sflag:$0x2] =	stream.indirect.gather [spmem:s2], $0x3E8, s19, s19, $0xb8;
	[tilespmem:$0x1F468] =	vst v63  }
0x27: {  	s8 =	simm.s32 $0x20  }
0x28: {  	[tilespmem:s23], [sflag:$0x3] =	stream.indirect.gather [spmem:s2], $0x3E8, s8, s19, $0xb8;
	[tilespmem:$0x1F468] =	vst v63  }
0x29: {  	_ =	swait.ge [sflag:s24], $0x3E80  }
0x2a: {  	[sflag:s24] =	ssyncset.done $0x0  }
0x2b: {  	s15 =	rddreg [dreg:$0x7];
	[sflag:s24] =	ssyncadd.s32 $0xFFFFC180  }
0x2c: {  	[hbm4b:s15+s3] =	stream.linear.scatter [tilespmem:s20], [sflag:$0x5], $0x3E80, $0x38;
	[tilespmem:$0x1F468] =	vst v63  }
0x2d: {  	s5 =	simm.s32 $0x30  }
0x2e: {  	[tilespmem:s26], [sflag:$0x4] =	stream.indirect.gather [spmem:s2], $0x3E8, s5, s19, $0xb8;
	[tilespmem:$0x1F468] =	vst v63  }
0x2f: {  	_ =	swait.ge [sflag:s28], $0x3E80  }
0x30: {  	[sflag:s28] =	ssyncset.done $0x0  }
0x31: {  	s7 =	rddreg [dreg:$0x8];
	[sflag:s28] =	ssyncadd.s32 $0xFFFFC180  }
0x32: {  	[hbm4b:s7+s3] =	stream.linear.scatter [tilespmem:s21], [sflag:$0x6], $0x3E80, $0x38;
	[tilespmem:$0x1F468] =	vst v63  }
0x33: {  	_ =	swait.ge [sflag:s29], $0x3E80  }
0x34: {  	[sflag:s29] =	ssyncset.done $0x0  }
0x35: {  	s8 =	simm.s32 $0x40;
	[sflag:s29] =	ssyncadd.s32 $0xFFFFC180  }
0x36: {  	[tilespmem:s20], [sflag:$0x1] =	stream.indirect.gather [spmem:s2], $0x3E8, s8, s19, $0xb8;
	[tilespmem:$0x1F468] =	vst v63  }
0x37: {  	_ =	swait.ge [sflag:s31], $0x3E80  }
0x38: {  	[sflag:s31] =	ssyncset.done $0x0  }
0x39: {  	s15 =	rddreg [dreg:$0x9];
	[sflag:s31] =	ssyncadd.s32 $0xFFFFC180  }
0x3a: {  	[hbm4b:s15+s3] =	stream.linear.scatter [tilespmem:s23], [sflag:$0x7], $0x3E80, $0x38;
	[tilespmem:$0x1F468] =	vst v63  }
0x3b: {  	_ =	swait.ge [sflag:s0], $0x3E80  }
0x3c: {  	[sflag:s0] =	ssyncset.done $0x0  }
0x3d: {  	s5 =	simm.s32 $0x50;
	[sflag:s0] =	ssyncadd.s32 $0xFFFFC180  }
0x3e: {  	[tilespmem:s21], [sflag:$0x2] =	stream.indirect.gather [spmem:s2], $0x3E8, s5, s19, $0xb8;
	[tilespmem:$0x1F468] =	vst v63  }
0x3f: {  	_ =	swait.ge [sflag:s22], $0x3E80  }
0x40: {  	[sflag:s22] =	ssyncset.done $0x0  }
0x41: {  	[sflag:s22] =	ssyncadd.s32 $0xFFFFC180  }
0x42: {  	[hbm4b:s9+s3] =	stream.linear.scatter [tilespmem:s26], [sflag:$0x8], $0x3E80, $0x38;
	[tilespmem:$0x1F468] =	vst v63  }
0x43: {  	_ =	swait.ge [sflag:s25], $0x3E80  }
0x44: {  	[sflag:s25] =	ssyncset.done $0x0  }
0x45: {  	s7 =	simm.s32 $0x60;
	[sflag:s25] =	ssyncadd.s32 $0xFFFFC180  }
0x46: {  	[tilespmem:s23], [sflag:$0x3] =	stream.indirect.gather [spmem:s2], $0x3E8, s7, s19, $0xb8;
	[tilespmem:$0x1F468] =	vst v63  }
0x47: {  	_ =	swait.ge [sflag:s24], $0x3E80  }
0x48: {  	[sflag:s24] =	ssyncset.done $0x0  }
0x49: {  	s8 =	sadd.s32 $0xFFFFE890, s6;
	[sflag:s24] =	ssyncadd.s32 $0xFFFFC180  }
0x4a: {  	[hbm4b:s8+s3] =	stream.linear.scatter [tilespmem:s20], [sflag:$0x5], $0x3E80, $0x38;
	[tilespmem:$0x1F468] =	vst v63  }
0x4b: {  	_ =	swait.ge [sflag:s30], $0x3E80  }
0x4c: {  	[sflag:s30] =	ssyncset.done $0x0  }
0x4d: {  	s15 =	simm.s32 $0x70;
	[sflag:s30] =	ssyncadd.s32 $0xFFFFC180  }
0x4e: {  	[tilespmem:s26], [sflag:$0x4] =	stream.indirect.gather [spmem:s2], $0x3E8, s15, s19, $0xb8;
	[tilespmem:$0x1F468] =	vst v63  }
0x4f: {  	_ =	swait.ge [sflag:s28], $0x3E80  }
0x50: {  	[sflag:s28] =	ssyncset.done $0x0  }
0x51: {  	s5 =	sadd.s32 $0xFFFFF060, s6;
	[sflag:s28] =	ssyncadd.s32 $0xFFFFC180  }
0x52: {  	[hbm4b:s5+s3] =	stream.linear.scatter [tilespmem:s21], [sflag:$0x6], $0x3E80, $0x38;
	[tilespmem:$0x1F468] =	vst v63  }
0x53: {  	_ =	swait.ge [sflag:s29], $0x3E80  }
0x54: {  	[sflag:s29] =	ssyncset.done $0x0  }
0x55: {  	s7 =	simm.s32 $0x80;
	[sflag:s29] =	ssyncadd.s32 $0xFFFFC180  }
0x56: {  	[tilespmem:s20], [sflag:$0x1] =	stream.indirect.gather [spmem:s2], $0x3E8, s7, s19, $0xb8;
	[tilespmem:$0x1F468] =	vst v63  }
0x57: {  	_ =	swait.ge [sflag:s31], $0x3E80  }
0x58: {  	[sflag:s31] =	ssyncset.done $0x0  }
0x59: {  	s8 =	sadd.s32 $0xFFFFF830, s6;
	[sflag:s31] =	ssyncadd.s32 $0xFFFFC180  }
0x5a: {  	[hbm4b:s8+s3] =	stream.linear.scatter [tilespmem:s23], [sflag:$0x7], $0x3E80, $0x38;
	[tilespmem:$0x1F468] =	vst v63  }
0x5b: {  	_ =	swait.ge [sflag:s0], $0x3E80  }
0x5c: {  	[sflag:s0] =	ssyncset.done $0x0  }
0x5d: {  	s15 =	simm.s32 $0x90;
	[sflag:s0] =	ssyncadd.s32 $0xFFFFC180  }
0x5e: {  	[tilespmem:s21], [sflag:$0x2] =	stream.indirect.gather [spmem:s2], $0x3E8, s15, s19, $0xb8;
	[tilespmem:$0x1F468] =	vst v63  }
0x5f: {  	_ =	swait.ge [sflag:s22], $0x3E80  }
0x60: {  	s4 =	simm.s32 $0x100;
	[sflag:s22] =	ssyncset.done $0x0  }
0x61: {  	s5 =	sadd.s32 $0x1F40, s6;
	s15 =	smov.u32 s6;
	[sflag:s22] =	ssyncadd.s32 $0xFFFFC180  }
.LBB2_2:
0x62: {  	[hbm4b:s15+s3] =	stream.linear.scatter [tilespmem:s26], [sflag:$0x8], $0x3E80, $0x38;
	[tilespmem:$0x1F468] =	vst v63  }
0x63: {  	s7 =	smov.u32 s4;
	s15 =	smov.u32 s5  }
0x64: {  	p1 =	sne.s32 s4, $0x1600;
	s4 =	sadd.s32 $0x100, s4;
	_ =	swait.ge [sflag:s25], $0x3E80  }
0x65: {  	s7 =	sshra.s32 s7, $0x2;
	[sflag:s25] =	ssyncset.done $0x0  }
0x66: {  	s8 =	sadd.s32 $0x60, s7;
	[sflag:s25] =	ssyncadd.s32 $0xFFFFC180  }
0x67: {  	[tilespmem:s23], [sflag:$0x3] =	stream.indirect.gather [spmem:s2], $0x3E8, s8, s19, $0xb8;
	[tilespmem:$0x1F468] =	vst v63  }
0x68: {  	_ =	swait.ge [sflag:s24], $0x3E80  }
0x69: {  	[sflag:s24] =	ssyncset.done $0x0  }
0x6a: {  	s8 =	sadd.s32 $0xFFFFE890, s5;
	[sflag:s24] =	ssyncadd.s32 $0xFFFFC180  }
0x6b: {  	[hbm4b:s8+s3] =	stream.linear.scatter [tilespmem:s20], [sflag:$0x5], $0x3E80, $0x38;
	[tilespmem:$0x1F468] =	vst v63  }
0x6c: {  	_ =	swait.ge [sflag:s30], $0x3E80  }
0x6d: {  	[sflag:s30] =	ssyncset.done $0x0  }
0x6e: {  	s8 =	sadd.s32 $0x70, s7;
	[sflag:s30] =	ssyncadd.s32 $0xFFFFC180  }
0x6f: {  	[tilespmem:s26], [sflag:$0x4] =	stream.indirect.gather [spmem:s2], $0x3E8, s8, s19, $0xb8;
	[tilespmem:$0x1F468] =	vst v63  }
0x70: {  	_ =	swait.ge [sflag:s28], $0x3E80  }
0x71: {  	[sflag:s28] =	ssyncset.done $0x0  }
0x72: {  	s8 =	sadd.s32 $0xFFFFF060, s5;
	[sflag:s28] =	ssyncadd.s32 $0xFFFFC180  }
0x73: {  	[hbm4b:s8+s3] =	stream.linear.scatter [tilespmem:s21], [sflag:$0x6], $0x3E80, $0x38;
	[tilespmem:$0x1F468] =	vst v63  }
0x74: {  	_ =	swait.ge [sflag:s29], $0x3E80  }
0x75: {  	[sflag:s29] =	ssyncset.done $0x0  }
0x76: {  	s8 =	sadd.s32 $0x80, s7;
	[sflag:s29] =	ssyncadd.s32 $0xFFFFC180  }
0x77: {  	[tilespmem:s20], [sflag:$0x1] =	stream.indirect.gather [spmem:s2], $0x3E8, s8, s19, $0xb8;
	[tilespmem:$0x1F468] =	vst v63  }
0x78: {  	_ =	swait.ge [sflag:s31], $0x3E80  }
0x79: {  	[sflag:s31] =	ssyncset.done $0x0  }
0x7a: {  	s8 =	sadd.s32 $0xFFFFF830, s5;
	[sflag:s31] =	ssyncadd.s32 $0xFFFFC180  }
0x7b: {  	[hbm4b:s8+s3] =	stream.linear.scatter [tilespmem:s23], [sflag:$0x7], $0x3E80, $0x38;
	[tilespmem:$0x1F468] =	vst v63  }
0x7c: {  	_ =	swait.ge [sflag:s0], $0x3E80  }
0x7d: {  	[sflag:s0] =	ssyncset.done $0x0  }
.Ltmp0:
0x7e: {  	s7 =	sadd.s32 $0x90, s7;
	[sflag:s0] =	ssyncadd.s32 $0xFFFFC180;
	(pc) =	sbr.rel @p1 .LBB2_2-.Ltmp0, $4  }
0x7f: {  	[tilespmem:s21], [sflag:$0x2] =	stream.indirect.gather [spmem:s2], $0x3E8, s7, s19, $0xb8;
	[tilespmem:$0x1F468] =	vst v63  }
0x80: {  	_ =	swait.ge [sflag:s22], $0x3E80  }
0x81: {  	[sflag:s22] =	ssyncset.done $0x0  }
0x82: {  	s5 =	sadd.s32 $0x1F40, s5;
	[sflag:s22] =	ssyncadd.s32 $0xFFFFC180  }
0x83: {  	[hbm4b:s15+s3] =	stream.linear.scatter [tilespmem:s26], [sflag:$0x8], $0x3E80, $0x38;
	[tilespmem:$0x1F468] =	vst v63  }
0x84: {  	_ =	swait.ge [sflag:s25], $0x3E80  }
0x85: {  	[sflag:s25] =	ssyncset.done $0x0  }
0x86: {  	s4 =	simm.s32 $0x620;
	[sflag:s25] =	ssyncadd.s32 $0xFFFFC180  }
0x87: {  	[tilespmem:s23], [sflag:$0x3] =	stream.indirect.gather [spmem:s2], $0x3E8, s4, s19, $0xb8;
	[tilespmem:$0x1F468] =	vst v63  }
0x88: {  	_ =	swait.ge [sflag:s24], $0x3E80  }
0x89: {  	[sflag:s24] =	ssyncset.done $0x0  }
0x8a: {  	[sflag:s24] =	ssyncadd.s32 $0xFFFFC180  }
0x8b: {  	[hbm4b:s10+s3] =	stream.linear.scatter [tilespmem:s20], [sflag:$0x5], $0x3E80, $0x38;
	[tilespmem:$0x1F468] =	vst v63  }
0x8c: {  	_ =	swait.ge [sflag:s30], $0x3E80  }
0x8d: {  	[sflag:s30] =	ssyncset.done $0x0  }
0x8e: {  	s15 =	simm.s32 $0x630;
	[sflag:s30] =	ssyncadd.s32 $0xFFFFC180  }
0x8f: {  	[tilespmem:s26], [sflag:$0x4] =	stream.indirect.gather [spmem:s2], $0x3E8, s15, s19, $0xb8;
	[tilespmem:$0x1F468] =	vst v63  }
0x90: {  	_ =	swait.ge [sflag:s28], $0x3E80  }
0x91: {  	[sflag:s28] =	ssyncset.done $0x0  }
0x92: {  	[sflag:s28] =	ssyncadd.s32 $0xFFFFC180  }
0x93: {  	[hbm4b:s11+s3] =	stream.linear.scatter [tilespmem:s21], [sflag:$0x6], $0x3E80, $0x38;
	[tilespmem:$0x1F468] =	vst v63  }
0x94: {  	_ =	swait.ge [sflag:s29], $0x3E80  }
0x95: {  	[sflag:s29] =	ssyncset.done $0x0  }
0x96: {  	[sflag:s29] =	ssyncadd.s32 $0xFFFFC180  }
0x97: {  	_ =	swait.ge [sflag:s31], $0x3E80  }
0x98: {  	[sflag:s31] =	ssyncset.done $0x0  }
0x99: {  	[sflag:s31] =	ssyncadd.s32 $0xFFFFC180  }
0x9a: {  	[hbm4b:s12+s3] =	stream.linear.scatter [tilespmem:s23], [sflag:$0x7], $0x3E80, $0x38;
	[tilespmem:$0x1F468] =	vst v63  }
0x9b: {  	_ =	swait.ge [sflag:s0], $0x3E80  }
0x9c: {  	[sflag:s0] =	ssyncset.done $0x0  }
0x9d: {  	[sflag:s0] =	ssyncadd.s32 $0xFFFFC180  }
0x9e: {  	_ =	swait.ge [sflag:s22], $0x3E80  }
0x9f: {  	[sflag:s22] =	ssyncset.done $0x0  }
0xa0: {  	s1 =	sadd.s32 $0x1, s1;
	[sflag:s22] =	ssyncadd.s32 $0xFFFFC180  }
0xa1: {  	[hbm4b:s13+s3] =	stream.linear.scatter [tilespmem:s26], [sflag:$0x8], $0x3E80, $0x38;
	[tilespmem:$0x1F468] =	vst v63  }
0xa2: {  	p1 =	sne.s32 s1, s14;
	_ =	swait.ge [sflag:s25], $0x3E80  }
.Ltmp1:
0xa3: {  	[sflag:s25] =	ssyncset.done $0x0;
	(pc) =	sbr.rel @p1 .LBB2_1-.Ltmp1, $4  }
0xa4: {  	[sflag:s25] =	ssyncadd.s32 $0xFFFFC180  }
0xa5: {  	_ =	swait.ge [sflag:s30], $0x3E80  }
0xa6: {  	[sflag:s30] =	ssyncset.done $0x0  }
0xa7: {  	[sflag:s30] =	ssyncadd.s32 $0xFFFFC180  }
0xa8: {  	_ =	sfence.sel $0x180000  }
0xa9: {  	[bflag:$0x0] =	sbarrier.arrive $0xFFFF  }
0xaa: {  	_ =	strace $0x90000047  }
0xab: {  	s0 =	stileid.u32;
	[bflag:$0x2] =	sbarrier.arrive $0xFFFF  }
0xac: {  	p0 =	sne.s32 s0, $0x0;
	s0 =	rddreg [dreg:$0x4]  }
0xad: {  	s0 =	sadd.s32 @!p0 $0x100000, s0  }
0xae: {  	[sflag:s0] =	ssyncadd.tile.s32 @!p0 $0x1;
	_ =	shalt  }
.Lfunc_end2:
_tile_overlayer_lowered:
.L_overlay_start_2:
0xaf: {  	(tag) =	ssettag $0x2  }
0xb0: {  	s0 =	rddreg [dreg:$0x0];
	s2 =	stileid.u32  }
0xb1: {  	s1 =	rddreg [dreg:$0x1];
	p0 =	sne.s32 s2, $0x0  }
0xb2: {  	s3 =	rddreg [dreg:$0x2];
	[bflag:$0x3] =	sbarrier.arrive $0xFFFF;
	s2 =	simm.s32 @!p0 $0x1C09  }
0xb3: {  	[timem:s3], [sflag:s2] =	dma.local @!p0 [hbm:s0], s1  }
0xb4: {  	s0 =	simm.s32 @!p0 $0x9  }
0xb5: {  	_ =	swait.ge @!p0 [sflag:s0], s1  }
0xb6: {  	s1 =	ssub.s32 @!p0 $0x0, s1;
	[sflag:s0] =	ssyncset.done @!p0 $0x0  }
0xb7: {  	[sflag:s0] =	ssyncadd.s32 @!p0 s1  }
0xb8: {  	[bflag:$0x3] =	sbarrier.arrive $0xFFFF  }
0xb9: {  	_ =	shalt  }

// kernel: sparse-core-data-format-call.cloned.1.call-start
scs
called_computation_lowered:
.L_overlay_start_0:
0x0: {  	s2 =	sld [smem:$0x3FD9]  }
0x1: {  	s3 =	sld [smem:$0x3FFE];
	_ =	sdelay $0x1  }
0x2: {  	s1 =	srdreg.scid  }
0x3: {  	s0 =	sand.u32 $0x1, s1  }
0x4: {  	s18 =	sshll.u32 s0, $0xA;
	s2 =	sadd.s32 s3, s2  }
0x5: {  	s2 =	sadd.s32 s2, s18  }
0x6: {  	[smem:$0x3FC6] =	sst s2  }
0x7: {  	_ = 	snop  }
0x8: {  	s2 =	sld [smem:$0x3FD0];
	(tm) =	ssettm $0x1  }
0x9: {  	s19 =	sld [smem:$0x3FFB];
	_ =	sdelay $0x3  }
0xa: {  	_ =	strace s19  }
0xb: {  	s3 =	sld [smem:$0x3FFC];
	_ =	sdelay $0x3  }
0xc: {  	_ =	strace s3  }
0xd: {  	s3 =	sld [smem:$0x3FFD];
	_ =	sdelay $0x3  }
0xe: {  	_ =	strace s3  }
0xf: {  	_ =	strace $0x8FFFFFFF  }
0x10: {  	s20 =	sld [smem:$0x3FDB];
	_ =	sdelay $0x1  }
0x11: {  	s4 =	simm.s32 $_scs_section_size  }
0x12: {  	s5 =	simm.s32 $_size__tile_overlayer_lowered;
	s6 =	simm.s32 $_tile_overlayer_lowered  }
0x13: {  	s23 =	simm.s32 $0x1BFF;
	s22 =	sshll.u32 s6, $0x1;
	s3 =	sadd.s32 s4, s20  }
0x14: {  	s7 =	simm.s32 $0x0;
	s21 =	sshll.u32 s5, $0x1;
	s5 =	sadd.s32 s22, s3  }
0x15: {  	[timem:s7], [sflag:s23] =	dma.local [hbm:s5], s21  }
0x16: {  	_ =	swait.ge [sflag:s23], s21  }
0x17: {  	s4 =	ssub.s32 $0x0, s21;
	[sflag:s23] =	ssyncset.done $0x0  }
0x18: {  	[sflag:s23] =	ssyncadd.s32 s4;
	_ =	sdelay $0x1  }
0x19: {  	s24 =	simm.s32 $0x1B8B  }
0x1a: {  	_ =	swait.ge [sflag:s24], $0x1  }
0x1b: {  	[sflag:s24] =	ssyncset.done $0x0  }
0x1c: {  	s26 =	simm.s32 $0x1B8E;
	s25 =	sld [smem:$0x3FFE];
	[sflag:s24] =	ssyncadd.s32 $0xFFFFFFFF  }
0x1d: {  	s27 =	simm.s32 $execute0_lowered;
	[smem:$0x3FD2] =	sst s26  }
0x1e: {  	s5 =	sshll.u32 s27, $0x1;
	_ =	strace $0x80000049;
	[dreg:$0x1] =	wrdreg $0xFFFFFFFF  }
0x1f: {  	s28 =	simm.s32 $_size_execute0_lowered;
	s3 =	sadd.s32 s3, s5;
	[dreg:$0x0] =	wrdreg $0x0  }
0x20: {  	s5 =	sshll.u32 s28, $0x1;
	[dreg:$0x2] =	wrdreg s3  }
0x21: {  	[dreg:$0x3] =	wrdreg s5  }
0x22: {  	[dreg:$0x4] =	wrdreg $0xC0  }
0x23: {  	_ =	task [dreg:s7], $0x5FFFF  }
0x24: {  	[dreg:$0x1] =	wrdreg $0xFFFFFFFF  }
0x25: {  	[dreg:$0x0] =	wrdreg $0x60  }
0x26: {  	[dreg:$0x2] =	wrdreg s25  }
0x27: {  	[dreg:$0x3] =	wrdreg s2  }
0x28: {  	[dreg:$0x4] =	wrdreg $0x9  }
0x29: {  	_ =	task.clear_ibuf [dreg:s7], $0x5FFFF;
	_ =	strace $0x90000049  }
0x2a: {  	s29 =	simm.s32 $0x9;
	_ =	strace $0x8000004B  }
0x2b: {  	_ =	swait.ge [sflag:s29], $0x1  }
0x2c: {  	[sflag:s29] =	ssyncadd.s32 $0xFFFFFFFF  }
0x2d: {  	_ =	strace $0x9000004B  }
0x2e: {  	_ =	sfence  }
0x2f: {  	s30 =	sld [smem:$0x0];
	_ =	sdelay $0x2  }
0x30: {  	s31 =	sshll.u32 s1, $0xD;
	s1 =	sshrl.u32 s1, $0x2  }
0x31: {  	s3 =	sand.u32 $0x4000, s31;
	s1 =	sadd.s32 s1, s30  }
0x32: {  	s0 =	sor.u32 s3, s0;
	s1 =	sshll.u32 s1, $0x11  }
0x33: {  	s0 =	sor.u32 s1, s0  }
0x34: {  	s0 =	sadd.s32 $0x8F2B, s0  }
0x35: {  	[sflag:s0] =	ssyncadd.remote.s32 $0x1  }
0x36: {  	_ =	sfence.sel $0xFFFF  }
0x37: {  	[dreg:$0x0] =	wrdreg $0xFFFFFFFF;
	(pc) =	sbr.abs _section_cstart, $3  }
0x38: {  	[dreg:$0x1] =	wrdreg $0xFFFFFFFF  }
0x39: {  	_ =	task.clear_ibuf [dreg:s7], $0x2FFFF;
	_ =	strace $0x9FFFFFFF  }
0x3a: {  	(tm) =	ssettm $0x7FFFFFFF  }
0x3b: {  	_ =	shalt  }
tec
execute0_lowered:
.L_overlay_start_1:
0x0: {  	(tag) =	ssettag $0x1  }
0x1: {  	s4 =	rddreg [dreg:$0x0]  }
0x2: {  	s2 =	rddreg [dreg:$0x1];
	s1 =	stileid.u32  }
0x3: {  	s3 =	srdreg.scid;
	s0 =	rddreg [dreg:$0x2];
	_ =	strace $0x8000004A  }
0x4: {  	s10 =	simm.s32 $0x2;
	s14 =	simm.s32 $0x0;
	s16 =	simm.s32 $0x0  }
0x5: {  	s12 =	simm.s32 $0x0;
	s15 =	simm.s32 $0x0;
	s3 =	sshll.u32 s3, $0x4  }
0x6: {  	s5 =	sshll.u32 s1, $0x7;
	s4 =	sadd.s32 $0x800, s4;
	s6 =	sand.u32 $0x10, s3  }
0x7: {  	s3 =	sand.u32 $0x180, s5;
	s5 =	simm.s32 $0x1;
	s8 =	sor.u32 s1, s6  }
0x8: {  	s31 =	ssub.s32 $0xC800, s3;
	[sflag:s5] =	ssyncpa.u1 $0x0;
	s13 =	smov.u32 s3  }
.Ltmp0:
0x9: {  	s7 =	sshll.u32 s8, $0x5;
	s9 =	sand.u32 $0x180, s31;
	(pc) =	sbr.rel .LBB1_1-.Ltmp0, $4  }
0xa: {  	s11 =	sshrl.u32 s31, $0x9;
	p0 =	sne.s32 s9, $0x0;
	s9 =	simm.s32 $0x1  }
0xb: {  	[sflag:s10] =	ssyncpa.u1 $0x0;
	s8 =	sshll.u32 s8, $0x8;
	s9 =	simm.s32 @!p0 $0x0  }
0xc: {  	s10 =	simm.s32 $0x64000;
	s6 =	sand.u32 $0x380, s7;
	s7 =	sadd.s32 s9, s11  }
0xd: {  	p0 =	por $0x0, $0x0;
	s11 =	simm.s32 $0x0;
	s9 =	sadd.s32 $0x1, s7  }
.LBB1_4:
0xe: {  	s22 =	sshrl.u32 s11, $0x3  }
0xf: {  	s23 =	sshll.u32 s12, $0x3;
	s24 =	sand.u32 $0x7F, s12;
	s22 =	smul.u32 $0x64000, s22  }
0x10: {  	v5 =	vld [tilespmem:s18+$0xFFFFFFD0];
	s21 =	sshra.s32 s21, $0x2;
	s25 =	sshra.s32 s12, $0x1F;
	s23 =	sand.u32 $0xFFFFFC00, s23  }
0x11: {  	[tilespmem:s20+$0x2040 ss:$0x81] =	vst.msk $0xffff, v4;
	v58 =	vld [tilespmem:s18+$0xFFFFFFE0];
	p1 =	sgt.s32 s12, $0xC780;
	s25 =	sand.u32 s25, s12;
	s22 =	sadd.s32 s23, s22  }
0x12: {  	[tilespmem:s20+$0x2850 ss:$0x81] =	vst.msk $0xffff, v3;
	v59 =	vld [tilespmem:s18+$0xFFFFFFF0];
	s23 =	sor.u32 s24, s22;
	s22 =	smulhi.u32 $0x51EB851F, s22;
	s24 =	smov.u32 s12  }
0x13: {  	[tilespmem:s20+$0x3060 ss:$0x81] =	vst.msk $0xffff, v2;
	v60 =	vld [tilespmem:s18+$0x0];
	s19 =	sadd.s32 s21, s19;
	s26 =	smulhi.u32 $0x51EB851F, s23;
	s24 =	simm.s32 @!p1 $0xC780  }
0x14: {  	[tilespmem:s20+$0x0 ss:$0x81] =	vst.msk $0xffff, v0;
	v61 =	vld [tilespmem:s18+$0x10];
	p1 =	sgt.s32 s11, $0x368;
	s28 =	sshrl.u32 s22, $0xE;
	s29 =	ssub.s32 s24, s25  }
0x15: {  	[tilespmem:s19+$0x3870 ss:$0x81] =	vst.msk $0xffff, v1;
	s30 =	sshrl.u32 s26, $0xE;
	s31 =	smulhi.u32 $0x418938, s28;
	s25 =	sadd.s32 $0xFFFF3880, s29  }
0x16: {  	v62 =	vld [tilespmem:s18+$0x20];
	[tilespmem:s19+$0x810 ss:$0x81] =	vst.msk $0xffff, v5;
	s22 =	smul.u32 $0xC800, s30;
	p2 =	sgt.s32 s25, $0x7F;
	s25 =	smov.u32 s11  }
0x17: {  	v63 =	vld [tilespmem:s18+$0xFFFFFFC0];
	[tilespmem:s19+$0x1020 ss:$0x81] =	vst.msk $0xffff, v58;
	s21 =	ssub.s32 $0xC800, s29;
	s25 =	simm.s32 @!p1 $0x368;
	s26 =	smul.u32 $0x3E8, s31  }
0x18: {  	[tilespmem:s19+$0x1830 ss:$0x81] =	vst.msk $0xffff, v59;
	s21 =	simm.s32 @p2 $0x0;
	s27 =	ssub.s32 $0x3E8, s25  }
0x19: {  	[tilespmem:s19+$0x2040 ss:$0x81] =	vst.msk $0xffff, v60;
	s22 =	ssub.s32 s23, s22;
	s18 =	ssub.s32 s28, s26;
	s28 =	smul.u32 s27, s21  }
0x1a: {  	[tilespmem:s19+$0x2850 ss:$0x81] =	vst.msk $0xffff, v61;
	s29 =	sshrl.u32 s22, $0x3;
	s22 =	sand.u32 $0x7, s22;
	s18 =	smul.u32 $0x1900, s18  }
0x1b: {  	[tilespmem:s19+$0x3060 ss:$0x81] =	vst.msk $0xffff, v62;
	s21 =	sadd.s32 s2, s29;
	s22 =	sshll.u32 s22, $0x12  }
0x1c: {  	[tilespmem:s19+$0x0 ss:$0x81] =	vst.msk $0xffff, v63;
	s30 =	sand.u32 $0x3FFFFFF8, s28;
	s31 =	sor.u32 $0x400, s22;
	s18 =	sadd.s32 s18, s21  }
0x1d: {  	[hbm4b:s18+s31] =	stream.strided.scatter [tilespmem:s17], [sflag:$0x2], s30, s10, s31, $0x20;
	[tilespmem:$0x10100] =	vst v63  }
.LBB1_5:
0x1e: {  	p1 =	slt.u32 s15, $0x2  }
0x1f: {  	p2 =	sgt.s32 @!p1 s16, $0xC780  }
0x20: {  	s17 =	smov.u32 s16;
	s18 =	sshra.s32 @!p1 s16, $0x1F;
	p2 =	por !p2, p1  }
0x21: {  	s16 =	sand.u32 @!p1 s18, s16;
	s17 =	simm.s32 @p2 $0xC780  }
0x22: {  	s16 =	ssub.s32 @!p1 s17, s16  }
0x23: {  	p2 =	sgt.s32 @!p1 s14, $0x368;
	s17 =	sadd.s32 @!p1 $0xFFFF3880, s16  }
0x24: {  	s18 =	sadd.s32 $0x200, s13;
	p2 =	por !p2, p1;
	p3 =	sgt.s32 @!p1 s17, $0x7F  }
0x25: {  	s14 =	simm.s32 @p2 $0x368;
	s16 =	ssub.s32 @!p1 $0xC800, s16;
	p2 =	por !p3, p1  }
0x26: {  	s14 =	ssub.s32 @!p1 $0x3E8, s14;
	s16 =	simm.s32 @!p2 $0x0;
	p2 =	sgt.s32 s18, $0xC7FF  }
0x27: {  	s14 =	smul.u32 @!p1 s14, s16;
	s18 =	smov.u32 @p2 s3;
	p2 =	sne.s32 s15, s9  }
.Ltmp1:
0x28: {  	s20 =	sadd.s32 $0x1, s15;
	p0 =	por !p0, !p0;
	(pc) =	sbr.rel @!p2 .LBB1_6-.Ltmp1, $4  }
0x29: {  	s17 =	simm.s32 @!p1 $0x2;
	s16 =	smov.u32 s12;
	s14 =	sand.u32 @!p1 $0x3FFFFFFF, s14  }
0x2a: {  	s12 =	smov.u32 s13;
	s15 =	smov.u32 s20;
	_ =	swait.ge @!p1 [sflag:s17], s14  }
0x2b: {  	s13 =	smov.u32 s18;
	s19 =	ssub.s32 @!p1 $0x0, s14;
	[sflag:s17] =	ssyncset.done @!p1 $0x0  }
0x2c: {  	s14 =	smov.u32 s11;
	s11 =	smov.u32 s6;
	[sflag:s17] =	ssyncadd.s32 @!p1 s19  }
.LBB1_1:
0x2d: {  	p1 =	sge.u32 s15, s7  }
0x2e: {  	s17 =	sshll.u32 @!p1 s13, $0xA  }
0x2f: {  	s17 =	sand.u32 @!p1 $0xFFFFE000, s17  }
0x30: {  	s17 =	sor.u32 @!p1 s8, s17  }
0x31: {  	s17 =	sshrl.u32 @!p1 s17, $0xA  }
0x32: {  	s18 =	smulhi.u32 @!p1 $0x28F5C3, s17;
	_ =	sdelay $0x1  }
0x33: {  	s18 =	sshrl.u32 @!p1 s18, $0x5  }
0x34: {  	s18 =	smul.u32 @!p1 $0xC800, s18  }
0x35: {  	s31 =	sadd.s32 $0xFFFFFFFF, s15;
	s19 =	sxor.u32 @!p1 $0xFFFFFFFF, s15;
	s20 =	sshll.u32 @!p1 s13, $0x4  }
0x36: {  	s19 =	sshll.u32 @!p1 s19, $0xE;
	s17 =	ssub.s32 @!p1 s17, s18;
	s18 =	sand.u32 @!p1 $0x70, s20  }
0x37: {  	s19 =	sand.u32 @!p1 $0x4000, s19;
	s17 =	sshll.u32 @!p1 s17, $0x7;
	s18 =	sadd.s32 @!p1 s4, s18  }
0x38: {  	s20 =	simm.s32 @!p1 $0x2000;
	s17 =	sadd.s32 @!p1 s17, s18;
	s18 =	simm.s32 @!p1 $0x400  }
0x39: {  	[tilespmem:s19], [sflag:$0x1] =	stream.strided.gather @!p1 [hbm4b:s17+s18], $0x4000, s20, s18, $0x38;
	[tilespmem:$0x10100] =	vst v63  }
0x3a: {  	p1 =	sge.u32 s31, s7  }
.Ltmp2:
0x3b: {  	_ = 	snop;
	(pc) =	sbr.rel @p1 .LBB1_5-.Ltmp2, $1  }
0x3c: {  	_ =	sdelay $0x3  }
0x3d: {  	s17 =	simm.s32 $0x1  }
0x3e: {  	_ =	swait.ge [sflag:s5], $0x4000;
	s17 =	simm.s32 @!p0 $0x0  }
0x3f: {  	[sflag:s5] =	ssyncset.done $0x0;
	s18 =	sshll.u32 s17, $0xE  }
0x40: {  	[sflag:s5] =	ssyncadd.s32 $0xFFFFC000;
	s18 =	sor.u32 $0x40, s18  }
0x41: {  	s17 =	smul.u32 $0x10200, s17;
	v0 =	vld [tilespmem:s18+$0x30]  }
0x42: {  	v1 =	vld [tilespmem:s18+$0xFFFFFFD0]  }
0x43: {  	s17 =	sshrl.u32 s17, $0x2;
	v5 =	vld [tilespmem:s18+$0xFFFFFFE0]  }
0x44: {  	v6 =	vld [tilespmem:s18+$0xFFFFFFF0];
	s19 =	sor.u32 $0x8000, s17  }
0x45: {  	s31 =	sand.u32 $0x1, s15;
	v4 =	vld [tilespmem:s18+$0x0];
	s20 =	sadd.s32 $0x0, s19  }
0x46: {  	v3 =	vld [tilespmem:s18+$0x10];
	s17 =	smul.u32 $0x10200, s31;
	[tilespmem:s20+$0x3870 ss:$0x81] =	vst.msk $0xffff, v0  }
0x47: {  	v2 =	vld [tilespmem:s18+$0x20];
	[tilespmem:s20+$0x810 ss:$0x81] =	vst.msk $0xffff, v1  }
0x48: {  	s17 =	sshrl.u32 s17, $0x2;
	v0 =	vld [tilespmem:s18+$0xFFFFFFC0];
	[tilespmem:s20+$0x1020 ss:$0x81] =	vst.msk $0xffff, v5;
	s18 =	sadd.s32 $0x80, s18  }
0x49: {  	s21 =	simm.s32 $0x4;
	s22 =	simm.s32 $0x8;
	s17 =	sor.u32 $0x8000, s17;
	[tilespmem:s20+$0x1830 ss:$0x81] =	vst.msk $0xffff, v6;
	v1 =	vld [tilespmem:s18+$0x30]  }
.LBB1_3:
0x4a: {  	p1 =	sne.s32 s22, $0x1FC;
	v5 =	vld [tilespmem:s18+$0xFFFFFFD0];
	[tilespmem:s20+$0x2040 ss:$0x81] =	vst.msk $0xffff, v4  }
0x4b: {  	v6 =	vld [tilespmem:s18+$0xFFFFFFE0];
	[tilespmem:s20+$0x2850 ss:$0x81] =	vst.msk $0xffff, v3  }
0x4c: {  	s23 =	sshra.s32 s21, $0x2;
	s21 =	smov.u32 s22;
	v7 =	vld [tilespmem:s18+$0xFFFFFFF0];
	[tilespmem:s20+$0x3060 ss:$0x81] =	vst.msk $0xffff, v2  }
.Ltmp3:
0x4d: {  	v4 =	vld [tilespmem:s18+$0x0];
	[tilespmem:s20+$0x0 ss:$0x81] =	vst.msk $0xffff, v0;
	s20 =	sadd.s32 s23, s19;
	(pc) =	sbr.rel @p1 .LBB1_3-.Ltmp3, $4  }
0x4e: {  	v3 =	vld [tilespmem:s18+$0x10];
	[tilespmem:s20+$0x3870 ss:$0x81] =	vst.msk $0xffff, v1  }
0x4f: {  	[tilespmem:s20+$0x810 ss:$0x81] =	vst.msk $0xffff, v5;
	v2 =	vld [tilespmem:s18+$0x20]  }
0x50: {  	v0 =	vld [tilespmem:s18+$0xFFFFFFC0];
	[tilespmem:s20+$0x1020 ss:$0x81] =	vst.msk $0xffff, v6;
	s18 =	sadd.s32 $0x80, s18  }
0x51: {  	s22 =	sadd.s32 $0x4, s22;
	v1 =	vld [tilespmem:s18+$0x30];
	[tilespmem:s20+$0x1830 ss:$0x81] =	vst.msk $0xffff, v7  }
.Ltmp4:
0x52: {  	_ = 	snop;
	(pc) =	sbr.rel .LBB1_4-.Ltmp4, $1  }
0x53: {  	_ =	sdelay $0x3  }
.LBB1_6:
0x54: {  	_ =	sfence.sel $0x180000  }
0x55: {  	s2 =	simm.s32 $0x1;
	[bflag:$0x0] =	sbarrier.arrive $0xFFFF  }
0x56: {  	s31 =	simm.s32 $0x2;
	[sflag:s2] =	ssyncpa.u1 $0x1  }
0x57: {  	[sflag:s31] =	ssyncpa.u1 $0x1  }
0x58: {  	p0 =	sne.s32 s1, $0x0;
	_ =	strace $0x9000004A  }
0x59: {  	s0 =	sadd.s32 @!p0 $0x100000, s0;
	[bflag:$0x2] =	sbarrier.arrive $0xFFFF  }
0x5a: {  	[sflag:s0] =	ssyncadd.tile.s32 @!p0 $0x1;
	_ =	shalt  }
.Lfunc_end1:
_tile_overlayer_lowered:
.L_overlay_start_2:
0x5b: {  	(tag) =	ssettag $0x2  }
0x5c: {  	s0 =	rddreg [dreg:$0x0];
	s2 =	stileid.u32  }
0x5d: {  	s1 =	rddreg [dreg:$0x1];
	p0 =	sne.s32 s2, $0x0  }
0x5e: {  	s3 =	rddreg [dreg:$0x2];
	[bflag:$0x3] =	sbarrier.arrive $0xFFFF;
	s2 =	simm.s32 @!p0 $0x1C01  }
0x5f: {  	[timem:s3], [sflag:s2] =	dma.local @!p0 [hbm:s0], s1  }
0x60: {  	s0 =	simm.s32 @!p0 $0x1  }
0x61: {  	_ =	swait.ge @!p0 [sflag:s0], s1  }
0x62: {  	s1 =	ssub.s32 @!p0 $0x0, s1;
	[sflag:s0] =	ssyncset.done @!p0 $0x0  }
0x63: {  	[sflag:s0] =	ssyncadd.s32 @!p0 s1  }
0x64: {  	[bflag:$0x3] =	sbarrier.arrive $0xFFFF  }
0x65: {  	_ =	shalt  }

</sc_bundles>
